<compile_context>
chip_gen: v7x
topology: tpu7x:2x2x1
jax: 0.10.2.dev20260603
libtpu: 0.0.44.dev20260713+nightly
codegen_flags: <defaults>
</compile_context>

<pallas_src>
import jax
import jax.numpy as jnp
from jax.experimental import pallas as pl

_SCORE_THR = 0.05
_TOPK = 1000
_NMS_THR = 0.5
_DET = 300


def _decode_body(feats_ref, score_ref, label_ref, bbox_ref):
    x = feats_ref[0]
    cls = jax.nn.sigmoid(x[:, 4:])
    mx = jnp.max(cls, axis=-1)
    iota = jax.lax.broadcasted_iota(jnp.int32, cls.shape, 1)
    lab = jnp.min(jnp.where(cls == mx[:, None], iota, 10000), axis=-1)
    masked = jnp.where(mx > _SCORE_THR, mx, -1.0)
    score_ref[0, 0] = masked
    label_ref[0, 0] = lab.astype(jnp.float32)
    bbox_ref[0] = jax.nn.sigmoid(x[:, :4])


def _nms_body(scale_ref, boxes_ref, labels_ref, scores_ref, out_ref):
    w = scale_ref[0, 0, 0]
    h = scale_ref[0, 0, 1]
    tb = boxes_ref[0]
    lab = labels_ref[0, 0]
    sc = scores_ref[0, 0]
    K = tb.shape[0]

    x1 = jnp.clip(tb[:, 0] * w, 0.0, w)
    y1 = jnp.clip(tb[:, 1] * h, 0.0, h)
    x2 = jnp.clip(tb[:, 2] * w, 0.0, w)
    y2 = jnp.clip(tb[:, 3] * h, 0.0, h)
    bfull = jnp.stack([x1, y1, x2, y2], axis=1)

    max_coord = jnp.max(bfull) + 1.0
    off = lab * max_coord
    ox1 = x1 + off
    oy1 = y1 + off
    ox2 = x2 + off
    oy2 = y2 + off

    area = jnp.clip(ox2 - ox1, 0.0, None) * jnp.clip(oy2 - oy1, 0.0, None)
    xx1 = jnp.maximum(ox1[:, None], ox1[None, :])
    yy1 = jnp.maximum(oy1[:, None], oy1[None, :])
    xx2 = jnp.minimum(ox2[:, None], ox2[None, :])
    yy2 = jnp.minimum(oy2[:, None], oy2[None, :])
    inter = jnp.clip(xx2 - xx1, 0.0, None) * jnp.clip(yy2 - yy1, 0.0, None)
    union = area[:, None] + area[None, :] - inter
    iou = inter / jnp.maximum(union, 1e-9)

    jj = jax.lax.broadcasted_iota(jnp.int32, (K, K), 0)
    ii = jax.lax.broadcasted_iota(jnp.int32, (K, K), 1)
    m = jnp.where(jnp.logical_and(iou > _NMS_THR, jj < ii), 1.0, 0.0)

    valid = (sc > _SCORE_THR).astype(jnp.float32).reshape(1, K)

    def cond(c):
        it, _, changed = c
        return jnp.logical_and(changed, it < K)

    def body(c):
        it, k, _ = c
        s = jax.lax.dot_general(
            k, m, (((1,), (0,)), ((), ())), preferred_element_type=jnp.float32
        )
        knew = jnp.where(jnp.logical_and(valid > 0.0, s == 0.0), 1.0, 0.0)
        changed = jnp.any(knew != k)
        return (it + 1, knew, changed)

    _, keep, _ = jax.lax.while_loop(
        cond, body, (jnp.int32(0), valid, jnp.bool_(True))
    )

    upper = jnp.where(jj <= ii, 1.0, 0.0)
    cum = jax.lax.dot_general(
        keep, upper, (((1,), (0,)), ((), ())), preferred_element_type=jnp.float32
    )
    dest = cum - 1.0
    rr = jax.lax.broadcasted_iota(jnp.int32, (_DET, K), 0).astype(jnp.float32)
    p = jnp.where(
        jnp.logical_and(keep > 0.0, dest == rr), 1.0, 0.0
    )
    vals = jnp.concatenate(
        [bfull, sc[:, None], lab[:, None]], axis=1
    )
    out_ref[0] = jax.lax.dot_general(
        p, vals, (((1,), (0,)), ((), ())), preferred_element_type=jnp.float32
    )


def kernel(feats, image_shapes):
    B, N, C = feats.shape
    R = 2000
    nchunk = N // R

    masked3, label3, bbox = pl.pallas_call(
        _decode_body,
        grid=(B, nchunk),
        in_specs=[pl.BlockSpec((1, R, C), lambda b, c: (b, c, 0))],
        out_specs=[
            pl.BlockSpec((1, 1, R), lambda b, c: (b * nchunk + c, 0, 0)),
            pl.BlockSpec((1, 1, R), lambda b, c: (b * nchunk + c, 0, 0)),
            pl.BlockSpec((1, R, 4), lambda b, c: (b, c, 0)),
        ],
        out_shape=[
            jax.ShapeDtypeStruct((B * nchunk, 1, R), jnp.float32),
            jax.ShapeDtypeStruct((B * nchunk, 1, R), jnp.float32),
            jax.ShapeDtypeStruct((B, N, 4), jnp.float32),
        ],
    )(feats)
    masked = masked3.reshape(B, N)
    label = label3.reshape(B, N)

    top_scores, top_idx = jax.lax.top_k(masked, _TOPK)
    tb = jnp.take_along_axis(bbox, top_idx[..., None], axis=1)
    tl = jnp.take_along_axis(label, top_idx, axis=1)

    wh = image_shapes.astype(jnp.float32)
    scales = jnp.stack([wh[:, 1], wh[:, 0]], axis=1).reshape(B, 1, 2)

    return pl.pallas_call(
        _nms_body,
        grid=(B,),
        in_specs=[
            pl.BlockSpec((1, 1, 2), lambda b: (b, 0, 0)),
            pl.BlockSpec((1, _TOPK, 4), lambda b: (b, 0, 0)),
            pl.BlockSpec((1, 1, _TOPK), lambda b: (b, 0, 0)),
            pl.BlockSpec((1, 1, _TOPK), lambda b: (b, 0, 0)),
        ],
        out_specs=pl.BlockSpec((1, _DET, 6), lambda b: (b, 0, 0)),
        out_shape=jax.ShapeDtypeStruct((B, _DET, 6), jnp.float32),
    )(scales, tb, tl.reshape(B, 1, _TOPK), top_scores.reshape(B, 1, _TOPK))

# --- scband reference (transcript-rebuilt; emitter-appended) ---
"""Pipeline reference for scband-detection-post-process-45423574122955 (READ-ONLY COPY).

The authoritative reference and input builder live on the scoring server;
editing this copy changes nothing except your own understanding.
"""

import jax, jax.numpy as jnp
import numpy as np

SCORE_THR = 0.05
TOPK = 1000
NMS_THR = 0.5
DET_PER_IMG = 300


def setup_inputs(seed: int = 0):
    key = jax.random.key(seed)
    k1, k2 = jax.random.split(key)
    feats = jax.random.normal(k1, (8, 20000, 84), dtype=jnp.float32)
    image_shapes = jax.random.randint(k2, (8, 2), 0, 1024).astype(jnp.int32)
    return {"feats": feats, "image_shapes": image_shapes}


def _iou_matrix(boxes):
    x1, y1, x2, y2 = boxes[:, 0], boxes[:, 1], boxes[:, 2], boxes[:, 3]
    area = jnp.clip(x2 - x1, 0.0) * jnp.clip(y2 - y1, 0.0)
    xx1 = jnp.maximum(x1[:, None], x1[None, :])
    yy1 = jnp.maximum(y1[:, None], y1[None, :])
    xx2 = jnp.minimum(x2[:, None], x2[None, :])
    yy2 = jnp.minimum(y2[:, None], y2[None, :])
    inter = jnp.clip(xx2 - xx1, 0.0) * jnp.clip(yy2 - yy1, 0.0)
    union = area[:, None] + area[None, :] - inter
    return inter / jnp.maximum(union, 1e-9)


def _nms_keep(boxes, valid, thr):
    # boxes are already sorted by descending score (output of top_k)
    K = boxes.shape[0]
    iou = _iou_matrix(jax.lax.stop_gradient(boxes))
    idx = jnp.arange(K)

    def body(i, suppressed):
        active = jnp.logical_and(jnp.logical_not(suppressed[i]), valid[i])
        sup_new = jnp.logical_and(jnp.logical_and(active, iou[i] > thr), idx > i)
        return jnp.logical_or(suppressed, sup_new)

    suppressed = jax.lax.fori_loop(0, K, body, jnp.zeros((K,), dtype=bool))
    return jnp.logical_and(jnp.logical_not(suppressed), valid)


def _postprocess_one(preds, img_shape):
    # RetinaNet-style sigmoid decode: first 4 channels -> normalized xyxy box,
    # remaining channels -> per-class scores; score=max class, label=argmax.
    bbox = jax.nn.sigmoid(preds[:, :4])
    cls = jax.nn.sigmoid(preds[:, 4:])
    score = jnp.max(cls, axis=-1)
    label = jnp.argmax(cls, axis=-1)
    # score threshold (mask instead of dynamic filter)
    valid0 = score > SCORE_THR
    masked = jnp.where(valid0, score, -1.0)
    top_scores, top_idx = jax.lax.top_k(masked, TOPK)
    h = img_shape[0].astype(jnp.float32)
    w = img_shape[1].astype(jnp.float32)
    scales = jnp.stack([w, h, w, h])
    b = bbox[top_idx] * scales[None, :]
    # clip coords to image
    b = jnp.stack([
        jnp.clip(b[:, 0], 0.0, w),
        jnp.clip(b[:, 1], 0.0, h),
        jnp.clip(b[:, 2], 0.0, w),
        jnp.clip(b[:, 3], 0.0, h),
    ], axis=1)
    lab = label[top_idx]
    valid = top_scores > SCORE_THR
    # batched (class-aware) NMS via per-class coordinate offsets
    max_coord = jax.lax.stop_gradient(jnp.max(b)) + 1.0
    offsets = lab.astype(jnp.float32) * max_coord
    boxes_off = b + offsets[:, None]
    keep = _nms_keep(boxes_off, valid, NMS_THR)
    final_scores = jnp.where(keep, top_scores, -1.0)
    sel_scores, sel_idx = jax.lax.top_k(final_scores, DET_PER_IMG)
    sel_valid = sel_scores > SCORE_THR
    out_boxes = jnp.where(sel_valid[:, None], b[sel_idx], 0.0)
    out_scores = jnp.where(sel_valid, sel_scores, 0.0)
    out_labels = jnp.where(sel_valid, lab[sel_idx].astype(jnp.float32), 0.0)
    return jnp.concatenate([out_boxes, out_scores[:, None], out_labels[:, None]], axis=-1)


def reference(feats, image_shapes):
    # feats: [B, N, 4+C] single-level predictions; image_shapes: int32 [B, 2] (h, w)
    return jax.vmap(_postprocess_one)(feats, image_shapes)

if __name__ == "__main__":
    import jax
    _d = setup_inputs()
    print(jax.jit(kernel)(*tuple(_d.values())))

</pallas_src>

<mosaic_0001>
module attributes {stable_mosaic.version = 14 : i64} {
  func.func @_decode_body(%arg0: i32, %arg1: i32, %arg2: memref<1x2000x84xf32, #tpu.memory_space<vmem>>, %arg3: memref<1x1x2000xf32, #tpu.memory_space<vmem>>, %arg4: memref<1x1x2000xf32, #tpu.memory_space<vmem>>, %arg5: memref<1x2000x4xf32, #tpu.memory_space<vmem>>) attributes {dimension_semantics = [#tpu.dimension_semantics<arbitrary>, #tpu.dimension_semantics<arbitrary>], iteration_bounds = array<i64: 8, 10>, scalar_prefetch = 0 : i64, scratch_operands = 0 : i64, tpu.core_type = #tpu.core_type<tc>, window_params = [{transform_indices = @transform_0, window_bounds = array<i64: 1, 2000, 84>}, {transform_indices = @transform_1, window_bounds = array<i64: 1, 1, 2000>}, {transform_indices = @transform_2, window_bounds = array<i64: 1, 1, 2000>}, {transform_indices = @transform_3, window_bounds = array<i64: 1, 2000, 4>}]} {
    %get3A = arith.constant 0 : index
    %get3A_0 = arith.constant 0 : index
    %get3A_1 = arith.constant 0 : index
    %get3A_2 = vector.load %arg2[%get3A, %get3A_0, %get3A_1] : memref<1x2000x84xf32, #tpu.memory_space<vmem>>, vector<1x2000x84xf32>
    %get3A_3 = vector.shape_cast %get3A_2 : vector<1x2000x84xf32> to vector<2000x84xf32>
    %slice3A = vector.extract_strided_slice %get3A_3 {offsets = [0, 4], sizes = [2000, 80], strides = [1, 1]} : vector<2000x84xf32> to vector<2000x80xf32>
    %logistic3A = arith.negf %slice3A : vector<2000x80xf32>
    %logistic3A_4 = math.exp %logistic3A : vector<2000x80xf32>
    %logistic3A_5 = arith.constant 1.000000e+00 : f32
    %logistic3A_6 = vector.broadcast %logistic3A_5 : f32 to vector<2000x80xf32>
    %logistic3A_7 = arith.addf %logistic3A_6, %logistic3A_4 : vector<2000x80xf32>
    %logistic3A_8 = arith.divf %logistic3A_6, %logistic3A_7 : vector<2000x80xf32>
    %reduce_max3A = arith.constant dense<0xFF800000> : vector<2000xf32>
    %reduce_max3A_9 = vector.multi_reduction <maximumf>, %logistic3A_8, %reduce_max3A [1] : vector<2000x80xf32> to vector<2000xf32>
    %iota3A = tpu.iota {dimensions = array<i32: 1>} : vector<2000x80xi32>
    %broadcast_in_dim3A = vector.shape_cast %reduce_max3A_9 : vector<2000xf32> to vector<2000x1xf32>
    %eq3A = vector.broadcast %broadcast_in_dim3A : vector<2000x1xf32> to vector<2000x80xf32>
    %eq3A_10 = arith.cmpf oeq, %logistic3A_8, %eq3A : vector<2000x80xf32>
    %jit3A = arith.constant 10000 : i32
    %broadcast_in_dim3A_11 = vector.broadcast %jit3A : i32 to vector<2000x80xi32>
    %select_n3A = arith.select %eq3A_10, %iota3A, %broadcast_in_dim3A_11 : vector<2000x80xi1>, vector<2000x80xi32>
    %reduce_min3A = arith.constant dense<2147483647> : vector<2000xi32>
    %reduce_min3A_12 = vector.multi_reduction <minsi>, %select_n3A, %reduce_min3A [1] : vector<2000x80xi32> to vector<2000xi32>
    %gt3A = arith.constant 5.000000e-02 : f32
    %gt3A_13 = vector.broadcast %gt3A : f32 to vector<2000xf32>
    %gt3A_14 = arith.cmpf ogt, %reduce_max3A_9, %gt3A_13 : vector<2000xf32>
    %jit3A_15 = arith.constant -1.000000e+00 : f32
    %broadcast_in_dim3A_16 = vector.broadcast %jit3A_15 : f32 to vector<2000xf32>
    %select_n3A_17 = arith.select %gt3A_14, %reduce_max3A_9, %broadcast_in_dim3A_16 : vector<2000xi1>, vector<2000xf32>
    %swap3A = arith.constant 0 : index
    %swap3A_18 = arith.constant 0 : index
    %swap3A_19 = arith.constant 0 : index
    %swap3A_20 = vector.load %arg3[%swap3A, %swap3A_18, %swap3A_19] : memref<1x1x2000xf32, #tpu.memory_space<vmem>>, vector<1x1x2000xf32>
    %swap3A_21 = vector.shape_cast %swap3A_20 : vector<1x1x2000xf32> to vector<2000xf32>
    %swap3A_22 = vector.shape_cast %select_n3A_17 : vector<2000xf32> to vector<1x1x2000xf32>
    tpu.vector_store %arg3[%swap3A, %swap3A_18, %swap3A_19], %swap3A_22 {strides = array<i32>} : memref<1x1x2000xf32, #tpu.memory_space<vmem>>, vector<1x1x2000xf32>,
    %convert_element_type3A = arith.sitofp %reduce_min3A_12 : vector<2000xi32> to vector<2000xf32>
    %swap3A_23 = arith.constant 0 : index
    %swap3A_24 = arith.constant 0 : index
    %swap3A_25 = arith.constant 0 : index
    %swap3A_26 = vector.load %arg4[%swap3A_23, %swap3A_24, %swap3A_25] : memref<1x1x2000xf32, #tpu.memory_space<vmem>>, vector<1x1x2000xf32>
    %swap3A_27 = vector.shape_cast %swap3A_26 : vector<1x1x2000xf32> to vector<2000xf32>
    %swap3A_28 = vector.shape_cast %convert_element_type3A : vector<2000xf32> to vector<1x1x2000xf32>
    tpu.vector_store %arg4[%swap3A_23, %swap3A_24, %swap3A_25], %swap3A_28 {strides = array<i32>} : memref<1x1x2000xf32, #tpu.memory_space<vmem>>, vector<1x1x2000xf32>,
    %slice3A_29 = vector.extract_strided_slice %get3A_3 {offsets = [0, 0], sizes = [2000, 4], strides = [1, 1]} : vector<2000x84xf32> to vector<2000x4xf32>
    %logistic3A_30 = arith.negf %slice3A_29 : vector<2000x4xf32>
    %logistic3A_31 = math.exp %logistic3A_30 : vector<2000x4xf32>
    %logistic3A_32 = arith.constant 1.000000e+00 : f32
    %logistic3A_33 = vector.broadcast %logistic3A_32 : f32 to vector<2000x4xf32>
    %logistic3A_34 = arith.addf %logistic3A_33, %logistic3A_31 : vector<2000x4xf32>
    %logistic3A_35 = arith.divf %logistic3A_33, %logistic3A_34 : vector<2000x4xf32>
    %swap3A_36 = arith.constant 0 : index
    %swap3A_37 = arith.constant 0 : index
    %swap3A_38 = arith.constant 0 : index
    %swap3A_39 = vector.load %arg5[%swap3A_36, %swap3A_37, %swap3A_38] : memref<1x2000x4xf32, #tpu.memory_space<vmem>>, vector<1x2000x4xf32>
    %swap3A_40 = vector.shape_cast %swap3A_39 : vector<1x2000x4xf32> to vector<2000x4xf32>
    %swap3A_41 = vector.shape_cast %logistic3A_35 : vector<2000x4xf32> to vector<1x2000x4xf32>
    tpu.vector_store %arg5[%swap3A_36, %swap3A_37, %swap3A_38], %swap3A_41 {strides = array<i32>} : memref<1x2000x4xf32, #tpu.memory_space<vmem>>, vector<1x2000x4xf32>,
    return
  }
  func.func @transform_0(%arg0: i32, %arg1: i32) -> (i32, i32, i32) {
    %c0_i32 = arith.constant 0 : i32
    %c0_i32_0 = arith.constant 0 : i32
    return %arg0, %arg1, %c0_i32 : i32, i32, i32
  }
  func.func @transform_1(%arg0: i32, %arg1: i32) -> (i32, i32, i32) {
    %mul3A = arith.constant 10 : i32
    %mul3A_0 = arith.muli %arg0, %mul3A : i32
    %add3A = arith.addi %mul3A_0, %arg1 : i32
    %c0_i32 = arith.constant 0 : i32
    %c0_i32_1 = arith.constant 0 : i32
    %c0_i32_2 = arith.constant 0 : i32
    return %add3A, %c0_i32, %c0_i32_1 : i32, i32, i32
  }
  func.func @transform_2(%arg0: i32, %arg1: i32) -> (i32, i32, i32) {
    %mul3A = arith.constant 10 : i32
    %mul3A_0 = arith.muli %arg0, %mul3A : i32
    %add3A = arith.addi %mul3A_0, %arg1 : i32
    %c0_i32 = arith.constant 0 : i32
    %c0_i32_1 = arith.constant 0 : i32
    %c0_i32_2 = arith.constant 0 : i32
    return %add3A, %c0_i32, %c0_i32_1 : i32, i32, i32
  }
  func.func @transform_3(%arg0: i32, %arg1: i32) -> (i32, i32, i32) {
    %c0_i32 = arith.constant 0 : i32
    %c0_i32_0 = arith.constant 0 : i32
    return %arg0, %arg1, %c0_i32 : i32, i32, i32
  }
}

module attributes {stable_mosaic.version = 14 : i64} {
  func.func @_nms_body(%arg0: i32, %arg1: memref<1x1x2xf32, #tpu.memory_space<vmem>>, %arg2: memref<1x1000x4xf32, #tpu.memory_space<vmem>>, %arg3: memref<1x1x1000xf32, #tpu.memory_space<vmem>>, %arg4: memref<1x1x1000xf32, #tpu.memory_space<vmem>>, %arg5: memref<1x300x6xf32, #tpu.memory_space<vmem>>) attributes {dimension_semantics = [#tpu.dimension_semantics<arbitrary>], iteration_bounds = array<i64: 8>, scalar_prefetch = 0 : i64, scratch_operands = 0 : i64, tpu.core_type = #tpu.core_type<tc>, window_params = [{transform_indices = @transform_0, window_bounds = array<i64: 1, 1, 2>}, {transform_indices = @transform_1, window_bounds = array<i64: 1, 1000, 4>}, {transform_indices = @transform_2, window_bounds = array<i64: 1, 1, 1000>}, {transform_indices = @transform_3, window_bounds = array<i64: 1, 1, 1000>}, {transform_indices = @transform_4, window_bounds = array<i64: 1, 300, 6>}]} {
    %get3A = arith.constant 0 : index
    %get3A_0 = arith.constant 0 : index
    %get3A_1 = arith.constant 0 : index
    %get3A_2 = vector.load %arg1[%get3A, %get3A_0, %get3A_1] : memref<1x1x2xf32, #tpu.memory_space<vmem>>, vector<1x1x1xf32>
    %get3A_3 = vector.extract %get3A_2[0, 0, 0] : f32 from vector<1x1x1xf32>
    %get3A_4 = arith.constant 0 : index
    %get3A_5 = arith.constant 0 : index
    %get3A_6 = arith.constant 1 : index
    %get3A_7 = vector.load %arg1[%get3A_4, %get3A_5, %get3A_6] : memref<1x1x2xf32, #tpu.memory_space<vmem>>, vector<1x1x1xf32>
    %get3A_8 = vector.extract %get3A_7[0, 0, 0] : f32 from vector<1x1x1xf32>
    %get3A_9 = arith.constant 0 : index
    %get3A_10 = arith.constant 0 : index
    %get3A_11 = arith.constant 0 : index
    %get3A_12 = vector.load %arg2[%get3A_9, %get3A_10, %get3A_11] : memref<1x1000x4xf32, #tpu.memory_space<vmem>>, vector<1x1000x4xf32>
    %get3A_13 = vector.shape_cast %get3A_12 : vector<1x1000x4xf32> to vector<1000x4xf32>
    %get3A_14 = arith.constant 0 : index
    %get3A_15 = arith.constant 0 : index
    %get3A_16 = arith.constant 0 : index
    %get3A_17 = vector.load %arg3[%get3A_14, %get3A_15, %get3A_16] : memref<1x1x1000xf32, #tpu.memory_space<vmem>>, vector<1x1x1000xf32>
    %get3A_18 = vector.shape_cast %get3A_17 : vector<1x1x1000xf32> to vector<1000xf32>
    %get3A_19 = arith.constant 0 : index
    %get3A_20 = arith.constant 0 : index
    %get3A_21 = arith.constant 0 : index
    %get3A_22 = vector.load %arg4[%get3A_19, %get3A_20, %get3A_21] : memref<1x1x1000xf32, #tpu.memory_space<vmem>>, vector<1x1x1000xf32>
    %get3A_23 = vector.shape_cast %get3A_22 : vector<1x1x1000xf32> to vector<1000xf32>
    %slice3A = vector.extract_strided_slice %get3A_13 {offsets = [0, 0], sizes = [1000, 1], strides = [1, 1]} : vector<1000x4xf32> to vector<1000x1xf32>
    %squeeze3A = vector.shape_cast %slice3A : vector<1000x1xf32> to vector<1000xf32>
    %mul3A = vector.broadcast %get3A_3 : f32 to vector<1000xf32>
    %mul3A_24 = arith.mulf %squeeze3A, %mul3A : vector<1000xf32>
    %jit3A = arith.constant 0.000000e+00 : f32
    %max3A = vector.broadcast %jit3A : f32 to vector<1000xf32>
    %max3A_25 = arith.maximumf %max3A, %mul3A_24 : vector<1000xf32>
    %min3A = vector.broadcast %get3A_3 : f32 to vector<1000xf32>
    %min3A_26 = arith.minimumf %min3A, %max3A_25 : vector<1000xf32>
    %slice3A_27 = vector.extract_strided_slice %get3A_13 {offsets = [0, 1], sizes = [1000, 1], strides = [1, 1]} : vector<1000x4xf32> to vector<1000x1xf32>
    %squeeze3A_28 = vector.shape_cast %slice3A_27 : vector<1000x1xf32> to vector<1000xf32>
    %mul3A_29 = vector.broadcast %get3A_8 : f32 to vector<1000xf32>
    %mul3A_30 = arith.mulf %squeeze3A_28, %mul3A_29 : vector<1000xf32>
    %jit3A_31 = arith.constant 0.000000e+00 : f32
    %max3A_32 = vector.broadcast %jit3A_31 : f32 to vector<1000xf32>
    %max3A_33 = arith.maximumf %max3A_32, %mul3A_30 : vector<1000xf32>
    %min3A_34 = vector.broadcast %get3A_8 : f32 to vector<1000xf32>
    %min3A_35 = arith.minimumf %min3A_34, %max3A_33 : vector<1000xf32>
    %slice3A_36 = vector.extract_strided_slice %get3A_13 {offsets = [0, 2], sizes = [1000, 1], strides = [1, 1]} : vector<1000x4xf32> to vector<1000x1xf32>
    %squeeze3A_37 = vector.shape_cast %slice3A_36 : vector<1000x1xf32> to vector<1000xf32>
    %mul3A_38 = vector.broadcast %get3A_3 : f32 to vector<1000xf32>
    %mul3A_39 = arith.mulf %squeeze3A_37, %mul3A_38 : vector<1000xf32>
    %jit3A_40 = arith.constant 0.000000e+00 : f32
    %max3A_41 = vector.broadcast %jit3A_40 : f32 to vector<1000xf32>
    %max3A_42 = arith.maximumf %max3A_41, %mul3A_39 : vector<1000xf32>
    %min3A_43 = vector.broadcast %get3A_3 : f32 to vector<1000xf32>
    %min3A_44 = arith.minimumf %min3A_43, %max3A_42 : vector<1000xf32>
    %slice3A_45 = vector.extract_strided_slice %get3A_13 {offsets = [0, 3], sizes = [1000, 1], strides = [1, 1]} : vector<1000x4xf32> to vector<1000x1xf32>
    %squeeze3A_46 = vector.shape_cast %slice3A_45 : vector<1000x1xf32> to vector<1000xf32>
    %mul3A_47 = vector.broadcast %get3A_8 : f32 to vector<1000xf32>
    %mul3A_48 = arith.mulf %squeeze3A_46, %mul3A_47 : vector<1000xf32>
    %jit3A_49 = arith.constant 0.000000e+00 : f32
    %max3A_50 = vector.broadcast %jit3A_49 : f32 to vector<1000xf32>
    %max3A_51 = arith.maximumf %max3A_50, %mul3A_48 : vector<1000xf32>
    %min3A_52 = vector.broadcast %get3A_8 : f32 to vector<1000xf32>
    %min3A_53 = arith.minimumf %min3A_52, %max3A_51 : vector<1000xf32>
    %stack3A = vector.shape_cast %min3A_26 : vector<1000xf32> to vector<1000x1xf32>
    %stack3A_54 = vector.shape_cast %min3A_35 : vector<1000xf32> to vector<1000x1xf32>
    %stack3A_55 = vector.shape_cast %min3A_44 : vector<1000xf32> to vector<1000x1xf32>
    %stack3A_56 = vector.shape_cast %min3A_53 : vector<1000xf32> to vector<1000x1xf32>
    %stack3A_57 = tpu.concatenate %stack3A, %stack3A_54, %stack3A_55, %stack3A_56 in 1 : vector<1000x1xf32>, vector<1000x1xf32>, vector<1000x1xf32>, vector<1000x1xf32> -> vector<1000x4xf32>
    %reduce_max3A = vector.shape_cast %stack3A_57 : vector<1000x4xf32> to vector<1x1000x4xf32>
    %reduce_max3A_58 = arith.constant dense<0xFF800000> : vector<1xf32>
    %reduce_max3A_59 = vector.multi_reduction <maximumf>, %reduce_max3A, %reduce_max3A_58 [1, 2] : vector<1x1000x4xf32> to vector<1xf32>
    %reduce_max3A_60 = vector.shape_cast %reduce_max3A_59 : vector<1xf32> to vector<1x1x1xf32>
    %reduce_max3A_61 = vector.extract %reduce_max3A_60[0, 0, 0] : f32 from vector<1x1x1xf32>
    %add3A = arith.constant 1.000000e+00 : f32
    %add3A_62 = arith.addf %reduce_max3A_61, %add3A : f32
    %mul3A_63 = vector.broadcast %add3A_62 : f32 to vector<1000xf32>
    %mul3A_64 = arith.mulf %get3A_18, %mul3A_63 : vector<1000xf32>
    %add3A_65 = arith.addf %min3A_26, %mul3A_64 : vector<1000xf32>
    %add3A_66 = arith.addf %min3A_35, %mul3A_64 : vector<1000xf32>
    %add3A_67 = arith.addf %min3A_44, %mul3A_64 : vector<1000xf32>
    %add3A_68 = arith.addf %min3A_53, %mul3A_64 : vector<1000xf32>
    %sub3A = arith.subf %add3A_67, %add3A_65 : vector<1000xf32>
    %jit3A_69 = arith.constant 0.000000e+00 : f32
    %max3A_70 = vector.broadcast %jit3A_69 : f32 to vector<1000xf32>
    %max3A_71 = arith.maximumf %max3A_70, %sub3A : vector<1000xf32>
    %sub3A_72 = arith.subf %add3A_68, %add3A_66 : vector<1000xf32>
    %jit3A_73 = arith.constant 0.000000e+00 : f32
    %max3A_74 = vector.broadcast %jit3A_73 : f32 to vector<1000xf32>
    %max3A_75 = arith.maximumf %max3A_74, %sub3A_72 : vector<1000xf32>
    %mul3A_76 = arith.mulf %max3A_71, %max3A_75 : vector<1000xf32>
    %broadcast_in_dim3A = vector.shape_cast %add3A_65 : vector<1000xf32> to vector<1000x1xf32>
    %broadcast_in_dim3A_77 = vector.shape_cast %add3A_65 : vector<1000xf32> to vector<1x1000xf32>
    %max3A_78 = vector.broadcast %broadcast_in_dim3A : vector<1000x1xf32> to vector<1000x1000xf32>
    %max3A_79 = vector.broadcast %broadcast_in_dim3A_77 : vector<1x1000xf32> to vector<1000x1000xf32>
    %max3A_80 = arith.maximumf %max3A_78, %max3A_79 : vector<1000x1000xf32>
    %broadcast_in_dim3A_81 = vector.shape_cast %add3A_66 : vector<1000xf32> to vector<1000x1xf32>
    %broadcast_in_dim3A_82 = vector.shape_cast %add3A_66 : vector<1000xf32> to vector<1x1000xf32>
    %max3A_83 = vector.broadcast %broadcast_in_dim3A_81 : vector<1000x1xf32> to vector<1000x1000xf32>
    %max3A_84 = vector.broadcast %broadcast_in_dim3A_82 : vector<1x1000xf32> to vector<1000x1000xf32>
    %max3A_85 = arith.maximumf %max3A_83, %max3A_84 : vector<1000x1000xf32>
    %broadcast_in_dim3A_86 = vector.shape_cast %add3A_67 : vector<1000xf32> to vector<1000x1xf32>
    %broadcast_in_dim3A_87 = vector.shape_cast %add3A_67 : vector<1000xf32> to vector<1x1000xf32>
    %min3A_88 = vector.broadcast %broadcast_in_dim3A_86 : vector<1000x1xf32> to vector<1000x1000xf32>
    %min3A_89 = vector.broadcast %broadcast_in_dim3A_87 : vector<1x1000xf32> to vector<1000x1000xf32>
    %min3A_90 = arith.minimumf %min3A_88, %min3A_89 : vector<1000x1000xf32>
    %broadcast_in_dim3A_91 = vector.shape_cast %add3A_68 : vector<1000xf32> to vector<1000x1xf32>
    %broadcast_in_dim3A_92 = vector.shape_cast %add3A_68 : vector<1000xf32> to vector<1x1000xf32>
    %min3A_93 = vector.broadcast %broadcast_in_dim3A_91 : vector<1000x1xf32> to vector<1000x1000xf32>
    %min3A_94 = vector.broadcast %broadcast_in_dim3A_92 : vector<1x1000xf32> to vector<1000x1000xf32>
    %min3A_95 = arith.minimumf %min3A_93, %min3A_94 : vector<1000x1000xf32>
    %sub3A_96 = arith.subf %min3A_90, %max3A_80 : vector<1000x1000xf32>
    %jit3A_97 = arith.constant 0.000000e+00 : f32
    %max3A_98 = vector.broadcast %jit3A_97 : f32 to vector<1000x1000xf32>
    %max3A_99 = arith.maximumf %max3A_98, %sub3A_96 : vector<1000x1000xf32>
    %sub3A_100 = arith.subf %min3A_95, %max3A_85 : vector<1000x1000xf32>
    %jit3A_101 = arith.constant 0.000000e+00 : f32
    %max3A_102 = vector.broadcast %jit3A_101 : f32 to vector<1000x1000xf32>
    %max3A_103 = arith.maximumf %max3A_102, %sub3A_100 : vector<1000x1000xf32>
    %mul3A_104 = arith.mulf %max3A_99, %max3A_103 : vector<1000x1000xf32>
    %broadcast_in_dim3A_105 = vector.shape_cast %mul3A_76 : vector<1000xf32> to vector<1000x1xf32>
    %broadcast_in_dim3A_106 = vector.shape_cast %mul3A_76 : vector<1000xf32> to vector<1x1000xf32>
    %add3A_107 = vector.broadcast %broadcast_in_dim3A_105 : vector<1000x1xf32> to vector<1000x1000xf32>
    %add3A_108 = vector.broadcast %broadcast_in_dim3A_106 : vector<1x1000xf32> to vector<1000x1000xf32>
    %add3A_109 = arith.addf %add3A_107, %add3A_108 : vector<1000x1000xf32>
    %sub3A_110 = arith.subf %add3A_109, %mul3A_104 : vector<1000x1000xf32>
    %max3A_111 = arith.constant 9.99999971E-10 : f32
    %max3A_112 = vector.broadcast %max3A_111 : f32 to vector<1000x1000xf32>
    %max3A_113 = arith.maximumf %sub3A_110, %max3A_112 : vector<1000x1000xf32>
    %div3A = arith.divf %mul3A_104, %max3A_113 : vector<1000x1000xf32>
    %iota3A = tpu.iota {dimensions = array<i32: 0>} : vector<1000x1000xi32>
    %iota3A_114 = tpu.iota {dimensions = array<i32: 1>} : vector<1000x1000xi32>
    %gt3A = arith.constant 5.000000e-01 : f32
    %gt3A_115 = vector.broadcast %gt3A : f32 to vector<1000x1000xf32>
    %gt3A_116 = arith.cmpf ogt, %div3A, %gt3A_115 : vector<1000x1000xf32>
    %lt3A = arith.cmpi slt, %iota3A, %iota3A_114 : vector<1000x1000xi32>
    %and3A = arith.andi %gt3A_116, %lt3A : vector<1000x1000xi1>
    %jit3A_117 = arith.constant 1.000000e+00 : f32
    %jit3A_118 = arith.constant 0.000000e+00 : f32
    %broadcast_in_dim3A_119 = vector.broadcast %jit3A_117 : f32 to vector<1000x1000xf32>
    %broadcast_in_dim3A_120 = vector.broadcast %jit3A_118 : f32 to vector<1000x1000xf32>
    %select_n3A = arith.select %and3A, %broadcast_in_dim3A_119, %broadcast_in_dim3A_120 : vector<1000x1000xi1>, vector<1000x1000xf32>
    %gt3A_121 = arith.constant 5.000000e-02 : f32
    %gt3A_122 = vector.broadcast %gt3A_121 : f32 to vector<1000xf32>
    %gt3A_123 = arith.cmpf ogt, %get3A_23, %gt3A_122 : vector<1000xf32>
    %convert_element_type3A = arith.extui %gt3A_123 : vector<1000xi1> to vector<1000xi32>
    %convert_element_type3A_124 = arith.sitofp %convert_element_type3A : vector<1000xi32> to vector<1000xf32>
    %reshape3A = vector.shape_cast %convert_element_type3A_124 : vector<1000xf32> to vector<1x1000xf32>
    %while3A = arith.constant 0 : i32
    %while3A_125 = arith.constant true
    %while3A_126:3 = scf.while (%while3A_158 = %while3A, %while3A_159 = %reshape3A, %while3A_160 = %while3A_125) : (i32, vector<1x1000xf32>, i1) -> (i32, vector<1x1000xf32>, i1) {
      %lt3A_161 = arith.constant 1000 : i32
      %lt3A_162 = arith.cmpi slt, %while3A_158, %lt3A_161 : i32
      %and3A_163 = arith.andi %while3A_160, %lt3A_162 : i1
      scf.condition(%and3A_163) %while3A_158, %while3A_159, %while3A_160 : i32, vector<1x1000xf32>, i1
    } do {
    ^bb0(%while3A_158: i32, %while3A_159: vector<1x1000xf32>, %while3A_160: i1):
      %dot_general3A_161 = arith.constant dense<0.000000e+00> : vector<1x1000xf32>
      %dot_general3A_162 = tpu.matmul %while3A_159, %select_n3A, %dot_general3A_161 {dimension_numbers = #tpu.dot_dimension_numbers<[1], [0], [0], [1], [0, 0, 1, 1], [], []>, transpose_lhs_hint = false} : vector<1x1000xf32>, vector<1000x1000xf32>, vector<1x1000xf32> -> vector<1x1000xf32>
      %gt3A_163 = arith.constant 0.000000e+00 : f32
      %gt3A_164 = vector.broadcast %gt3A_163 : f32 to vector<1x1000xf32>
      %gt3A_165 = arith.cmpf ogt, %reshape3A, %gt3A_164 : vector<1x1000xf32>
      %eq3A_166 = arith.constant 0.000000e+00 : f32
      %eq3A_167 = vector.broadcast %eq3A_166 : f32 to vector<1x1000xf32>
      %eq3A_168 = arith.cmpf oeq, %dot_general3A_162, %eq3A_167 : vector<1x1000xf32>
      %and3A_169 = arith.andi %gt3A_165, %eq3A_168 : vector<1x1000xi1>
      %jit3A_170 = arith.constant 1.000000e+00 : f32
      %jit3A_171 = arith.constant 0.000000e+00 : f32
      %broadcast_in_dim3A_172 = vector.broadcast %jit3A_170 : f32 to vector<1x1000xf32>
      %broadcast_in_dim3A_173 = vector.broadcast %jit3A_171 : f32 to vector<1x1000xf32>
      %select_n3A_174 = arith.select %and3A_169, %broadcast_in_dim3A_172, %broadcast_in_dim3A_173 : vector<1x1000xi1>, vector<1x1000xf32>
      %ne3A = arith.cmpf one, %select_n3A_174, %while3A_159 : vector<1x1000xf32>
      %reduce_or3A = arith.constant 1.000000e+00 : f32
      %reduce_or3A_175 = arith.constant 0.000000e+00 : f32
      %reduce_or3A_176 = vector.broadcast %reduce_or3A : f32 to vector<1x1000xf32>
      %reduce_or3A_177 = vector.broadcast %reduce_or3A_175 : f32 to vector<1x1000xf32>
      %reduce_or3A_178 = arith.select %ne3A, %reduce_or3A_176, %reduce_or3A_177 : vector<1x1000xi1>, vector<1x1000xf32>
      %reduce_or3A_179 = vector.shape_cast %reduce_or3A_178 : vector<1x1000xf32> to vector<1x1x1000xf32>
      %reduce_or3A_180 = arith.constant dense<0xFF800000> : vector<1xf32>
      %reduce_or3A_181 = vector.multi_reduction <maximumf>, %reduce_or3A_179, %reduce_or3A_180 [1, 2] : vector<1x1x1000xf32> to vector<1xf32>
      %reduce_or3A_182 = vector.shape_cast %reduce_or3A_181 : vector<1xf32> to vector<1x1x1xf32>
      %reduce_or3A_183 = vector.extract %reduce_or3A_182[0, 0, 0] : f32 from vector<1x1x1xf32>
      %reduce_or3A_184 = arith.constant 0.000000e+00 : f32
      %reduce_or3A_185 = arith.cmpf ogt, %reduce_or3A_183, %reduce_or3A_184 : f32
      %add3A_186 = arith.constant 1 : i32
      %add3A_187 = arith.addi %while3A_158, %add3A_186 : i32
      scf.yield %add3A_187, %select_n3A_174, %reduce_or3A_185 : i32, vector<1x1000xf32>, i1
    }
    %le3A = arith.cmpi sle, %iota3A, %iota3A_114 : vector<1000x1000xi32>
    %jit3A_127 = arith.constant 1.000000e+00 : f32
    %jit3A_128 = arith.constant 0.000000e+00 : f32
    %broadcast_in_dim3A_129 = vector.broadcast %jit3A_127 : f32 to vector<1000x1000xf32>
    %broadcast_in_dim3A_130 = vector.broadcast %jit3A_128 : f32 to vector<1000x1000xf32>
    %select_n3A_131 = arith.select %le3A, %broadcast_in_dim3A_129, %broadcast_in_dim3A_130 : vector<1000x1000xi1>, vector<1000x1000xf32>
    %dot_general3A = arith.constant dense<0.000000e+00> : vector<1x1000xf32>
    %dot_general3A_132 = tpu.matmul %while3A_126#1, %select_n3A_131, %dot_general3A {dimension_numbers = #tpu.dot_dimension_numbers<[1], [0], [0], [1], [0, 0, 1, 1], [], []>, transpose_lhs_hint = false} : vector<1x1000xf32>, vector<1000x1000xf32>, vector<1x1000xf32> -> vector<1x1000xf32>
    %sub3A_133 = arith.constant 1.000000e+00 : f32
    %sub3A_134 = vector.broadcast %sub3A_133 : f32 to vector<1x1000xf32>
    %sub3A_135 = arith.subf %dot_general3A_132, %sub3A_134 : vector<1x1000xf32>
    %iota3A_136 = tpu.iota {dimensions = array<i32: 0>} : vector<300x1000xi32>
    %convert_element_type3A_137 = arith.sitofp %iota3A_136 : vector<300x1000xi32> to vector<300x1000xf32>
    %gt3A_138 = arith.constant 0.000000e+00 : f32
    %gt3A_139 = vector.broadcast %gt3A_138 : f32 to vector<1x1000xf32>
    %gt3A_140 = arith.cmpf ogt, %while3A_126#1, %gt3A_139 : vector<1x1000xf32>
    %eq3A = vector.broadcast %sub3A_135 : vector<1x1000xf32> to vector<300x1000xf32>
    %eq3A_141 = arith.cmpf oeq, %eq3A, %convert_element_type3A_137 : vector<300x1000xf32>
    %and3A_142 = vector.broadcast %gt3A_140 : vector<1x1000xi1> to vector<300x1000xi1>
    %and3A_143 = arith.andi %and3A_142, %eq3A_141 : vector<300x1000xi1>
    %jit3A_144 = arith.constant 1.000000e+00 : f32
    %jit3A_145 = arith.constant 0.000000e+00 : f32
    %broadcast_in_dim3A_146 = vector.broadcast %jit3A_144 : f32 to vector<300x1000xf32>
    %broadcast_in_dim3A_147 = vector.broadcast %jit3A_145 : f32 to vector<300x1000xf32>
    %select_n3A_148 = arith.select %and3A_143, %broadcast_in_dim3A_146, %broadcast_in_dim3A_147 : vector<300x1000xi1>, vector<300x1000xf32>
    %broadcast_in_dim3A_149 = vector.shape_cast %get3A_23 : vector<1000xf32> to vector<1000x1xf32>
    %broadcast_in_dim3A_150 = vector.shape_cast %get3A_18 : vector<1000xf32> to vector<1000x1xf32>
    %concatenate3A = tpu.concatenate %stack3A_57, %broadcast_in_dim3A_149, %broadcast_in_dim3A_150 in 1 : vector<1000x4xf32>, vector<1000x1xf32>, vector<1000x1xf32> -> vector<1000x6xf32>
    %dot_general3A_151 = arith.constant dense<0.000000e+00> : vector<300x6xf32>
    %dot_general3A_152 = tpu.matmul %select_n3A_148, %concatenate3A, %dot_general3A_151 {dimension_numbers = #tpu.dot_dimension_numbers<[1], [0], [0], [1], [0, 0, 1, 1], [], []>, transpose_lhs_hint = false} : vector<300x1000xf32>, vector<1000x6xf32>, vector<300x6xf32> -> vector<300x6xf32>
    %swap3A = arith.constant 0 : index
    %swap3A_153 = arith.constant 0 : index
    %swap3A_154 = arith.constant 0 : index
    %swap3A_155 = vector.load %arg5[%swap3A, %swap3A_153, %swap3A_154] : memref<1x300x6xf32, #tpu.memory_space<vmem>>, vector<1x300x6xf32>
    %swap3A_156 = vector.shape_cast %swap3A_155 : vector<1x300x6xf32> to vector<300x6xf32>
    %swap3A_157 = vector.shape_cast %dot_general3A_152 : vector<300x6xf32> to vector<1x300x6xf32>
    tpu.vector_store %arg5[%swap3A, %swap3A_153, %swap3A_154], %swap3A_157 {strides = array<i32>} : memref<1x300x6xf32, #tpu.memory_space<vmem>>, vector<1x300x6xf32>,
    return
  }
  func.func @transform_0(%arg0: i32) -> (i32, i32, i32) {
    %c0_i32 = arith.constant 0 : i32
    %c0_i32_0 = arith.constant 0 : i32
    %c0_i32_1 = arith.constant 0 : i32
    return %arg0, %c0_i32, %c0_i32_0 : i32, i32, i32
  }
  func.func @transform_1(%arg0: i32) -> (i32, i32, i32) {
    %c0_i32 = arith.constant 0 : i32
    %c0_i32_0 = arith.constant 0 : i32
    %c0_i32_1 = arith.constant 0 : i32
    return %arg0, %c0_i32, %c0_i32_0 : i32, i32, i32
  }
  func.func @transform_2(%arg0: i32) -> (i32, i32, i32) {
    %c0_i32 = arith.constant 0 : i32
    %c0_i32_0 = arith.constant 0 : i32
    %c0_i32_1 = arith.constant 0 : i32
    return %arg0, %c0_i32, %c0_i32_0 : i32, i32, i32
  }
  func.func @transform_3(%arg0: i32) -> (i32, i32, i32) {
    %c0_i32 = arith.constant 0 : i32
    %c0_i32_0 = arith.constant 0 : i32
    %c0_i32_1 = arith.constant 0 : i32
    return %arg0, %c0_i32, %c0_i32_0 : i32, i32, i32
  }
  func.func @transform_4(%arg0: i32) -> (i32, i32, i32) {
    %c0_i32 = arith.constant 0 : i32
    %c0_i32_0 = arith.constant 0 : i32
    %c0_i32_1 = arith.constant 0 : i32
    return %arg0, %c0_i32, %c0_i32_0 : i32, i32, i32
  }
}

</mosaic_0001>

<sc_bundles>
// kernel: gather_offload_async_start.1
scs
__scs_entry_jumppad:
0x0: {  	(pc) =	sbr.rel $0x88, $3  }
0x1: {  	(tag) =	ssettag $0x0;
	lr =	simm.s32 $0x1  }
0x2: {  	[smem:$0x3F9F] =	sst lr;
	_ =	strace $0xD0000000  }
0x3: {  	_ = 	snop  }
0x4: {  	_ = 	snop  }
0x5: {  	_ = 	snop  }
0x6: {  	_ = 	snop  }
0x7: {  	_ = 	snop  }
__scs_overlays_trampoline_lowered:
0x8: {  	[smem:$0x3FAE] =	sst s0  }
0x9: {  	[smem:$0x3FAF] =	sst s1  }
0xa: {  	[smem:$0x3FB0] =	sst s2  }
0xb: {  	[smem:$0x3FB1] =	sst s3  }
0xc: {  	[smem:$0x3FB2] =	sst s4  }
0xd: {  	[smem:$0x3FB3] =	sst s5  }
0xe: {  	[smem:$0x3FB4] =	sst s6  }
0xf: {  	[smem:$0x3FB5] =	sst s7  }
0x10: {  	[smem:$0x3FB6] =	sst s8  }
0x11: {  	[smem:$0x3FB7] =	sst s9;
	s0 =	simm.s32 @!p0 $0x0  }
0x12: {  	s1 =	sld [smem:$0x3F9D];
	s0 =	simm.s32 @p0 $0x1  }
0x13: {  	[smem:$0x3FB8] =	sst s0;
	s0 =	simm.s32 @!p1 $0x0  }
0x14: {  	s2 =	sld [smem:$0x3F9C];
	s0 =	simm.s32 @p1 $0x1  }
0x15: {  	[smem:$0x3FB9] =	sst s0;
	s0 =	simm.s32 @!p2 $0x0  }
0x16: {  	s3 =	sld [smem:$0x3FDB];
	s0 =	simm.s32 @p2 $0x1  }
0x17: {  	s4 =	simm.s32 $0x1BF5;
	[smem:$0x3FBB] =	sst s0  }
0x18: {  	s0 =	sld [smem:$0x3F9E];
	_ =	swait.ge [sflag:s4], $0x0  }
0x19: {  	s7 =	sld [smem:$0x3F9F]  }
0x1a: {  	s8 =	sadd.s32 $0xFFFFE003, lr  }
0x1b: {  	s9 =	sadd.s32 $0xFFFFFEF7, lr;
	s5 =	simm.s32 $0xFFFFFFFF;
	p2 =	slt.u32 s8, $0xFFFFF086  }
0x1c: {  	p1 =	slt.u32 s9, $0xF7A;
	s5 =	simm.s32 @!p2 $0x0  }
0x1d: {  	s5 =	simm.s32 @p1 $0x1;
	p0 =	seq.s32 s7, s2  }
0x1e: {  	s7 =	smul.u32 @!p0 $0xF7A, s2;
	p2 =	seq.s32 @!p0 s5, $0x0  }
0x1f: {  	s9 =	smul.u32 $0xF7A, s1;
	s8 =	simm.s32 @!p0 $0x1BF5;
	p2 =	por !p2, p0  }
0x20: {  	[sflag:s8] =	ssyncset.s32 @!p0 $0xFFFFF086;
	s6 =	sadd.s32 @!p0 s3, s7;
	s7 =	simm.s32 @!p0 $0x108  }
0x21: {  	s3 =	sadd.s32 s3, s9;
	s6 =	sadd.s32 @!p0 $0x88, s6;
	s7 =	simm.s32 @p2 $0x1082  }
0x22: {  	[simem:s7], [sflag:s8] =	dma.local @!p0 [hbm:s6], $0xF7A  }
0x23: {  	s9 =	sor.u32 $0xD0000000, s2;
	s6 =	simm.s32 $0x108;
	_ =	swait.ge @!p0 [sflag:s8], $0x0  }
0x24: {  	s3 =	sadd.s32 $0x88, s3;
	s6 =	simm.s32 @!p1 $0x1082;
	[sflag:s4] =	ssyncset.s32 $0xFFFFF086  }
0x25: {  	[simem:s6], [sflag:s4] =	dma.local [hbm:s3], $0xF7A  }
0x26: {  	[smem:$0x3F9F] =	sst s1;
	(tag) =	ssettag s2;
	_ =	strace s9  }
0x27: {  	s1 =	sld [smem:$0x3FAF]  }
0x28: {  	s2 =	sld [smem:$0x3FB0]  }
0x29: {  	s4 =	sld [smem:$0x3FB2]  }
0x2a: {  	p0 =	seq.s32 s5, $0x0;
	s5 =	sld [smem:$0x3FB3]  }
0x2b: {  	s6 =	sld [smem:$0x3FB4]  }
0x2c: {  	s7 =	sld [smem:$0x3FB5]  }
0x2d: {  	s3 =	simm.s32 $0x108;
	s8 =	sld [smem:$0x3FB6]  }
0x2e: {  	s3 =	simm.s32 @!p0 $0x1082;
	s9 =	sld [smem:$0x3FB7]  }
0x2f: {  	lr =	sadd.s32 s0, s3;
	s0 =	sld [smem:$0x3FAE]  }
0x30: {  	s3 =	sld [smem:$0x3FB1]  }
0x31: {  	[smem:$0x3FBA] =	sst s10  }
0x32: {  	s10 =	sld [smem:$0x3FB8];
	_ =	sdelay $0x3  }
0x33: {  	p0 =	seq.s32 s10, $0x1;
	s10 =	sld [smem:$0x3FBA];
	_ =	sdelay $0x3  }
0x34: {  	[smem:$0x3FBA] =	sst s10  }
0x35: {  	s10 =	sld [smem:$0x3FB9];
	_ =	sdelay $0x3  }
0x36: {  	p1 =	seq.s32 s10, $0x1;
	s10 =	sld [smem:$0x3FBA];
	_ =	sdelay $0x3  }
0x37: {  	[smem:$0x3FBA] =	sst s10  }
0x38: {  	s10 =	sld [smem:$0x3FBB]  }
0x39: {  	_ = 	snop;
	(pc) =	sbr.ind lr, $3  }
0x3a: {  	_ = 	snop  }
0x3b: {  	_ = 	snop  }
0x3c: {  	p2 =	seq.s32 s10, $0x1;
	s10 =	sld [smem:$0x3FBA]  }
0x3d: {  	_ =	shalt  }
0x3e: {  	_ =	shalt  }
0x3f: {  	_ =	shalt  }
0x40: {  	_ =	shalt  }
0x41: {  	_ =	shalt  }
0x42: {  	_ =	shalt  }
0x43: {  	_ =	shalt  }
0x44: {  	_ =	shalt  }
0x45: {  	_ =	shalt  }
0x46: {  	_ =	shalt  }
0x47: {  	_ =	shalt  }
0x48: {  	_ =	shalt  }
0x49: {  	_ =	shalt  }
0x4a: {  	_ =	shalt  }
0x4b: {  	_ =	shalt  }
0x4c: {  	_ =	shalt  }
0x4d: {  	_ =	shalt  }
0x4e: {  	_ =	shalt  }
0x4f: {  	_ =	shalt  }
0x50: {  	_ =	shalt  }
0x51: {  	_ =	shalt  }
0x52: {  	_ =	shalt  }
0x53: {  	_ =	shalt  }
0x54: {  	_ =	shalt  }
0x55: {  	_ =	shalt  }
0x56: {  	_ =	shalt  }
0x57: {  	_ =	shalt  }
0x58: {  	_ =	shalt  }
0x59: {  	_ =	shalt  }
0x5a: {  	_ =	shalt  }
0x5b: {  	_ =	shalt  }
0x5c: {  	_ =	shalt  }
0x5d: {  	_ =	shalt  }
0x5e: {  	_ =	shalt  }
0x5f: {  	_ =	shalt  }
0x60: {  	_ =	shalt  }
0x61: {  	_ =	shalt  }
0x62: {  	_ =	shalt  }
0x63: {  	_ =	shalt  }
0x64: {  	_ =	shalt  }
0x65: {  	_ =	shalt  }
0x66: {  	_ =	shalt  }
0x67: {  	_ =	shalt  }
0x68: {  	_ =	shalt  }
0x69: {  	_ =	shalt  }
0x6a: {  	_ =	shalt  }
0x6b: {  	_ =	shalt  }
0x6c: {  	_ =	shalt  }
0x6d: {  	_ =	shalt  }
0x6e: {  	_ =	shalt  }
0x6f: {  	_ =	shalt  }
0x70: {  	_ =	shalt  }
0x71: {  	_ =	shalt  }
0x72: {  	_ =	shalt  }
0x73: {  	_ =	shalt  }
0x74: {  	_ =	shalt  }
0x75: {  	_ =	shalt  }
0x76: {  	_ =	shalt  }
0x77: {  	_ =	shalt  }
0x78: {  	_ =	shalt  }
0x79: {  	_ =	shalt  }
0x7a: {  	_ =	shalt  }
0x7b: {  	_ =	shalt  }
0x7c: {  	_ =	shalt  }
0x7d: {  	_ =	shalt  }
0x7e: {  	_ =	shalt  }
0x7f: {  	_ =	shalt  }
0x80: {  	_ =	shalt  }
0x81: {  	_ =	shalt  }
0x82: {  	_ =	shalt  }
0x83: {  	_ =	shalt  }
0x84: {  	_ =	shalt  }
0x85: {  	_ =	shalt  }
0x86: {  	_ =	shalt  }
0x87: {  	_ =	shalt  }
.Lfunc_end0:
.L_simem_size_0:
called_computation.1_lowered:
.L_overlay_start_0:
0x88: {  	s2 =	sld [smem:$0x3FD9]  }
0x89: {  	s3 =	sld [smem:$0x3FFE];
	_ =	sdelay $0x1  }
0x8a: {  	s1 =	srdreg.scid  }
0x8b: {  	s0 =	sand.u32 $0x1, s1  }
0x8c: {  	s17 =	sshll.u32 s0, $0xA;
	s2 =	sadd.s32 s3, s2  }
0x8d: {  	s2 =	sadd.s32 s2, s17  }
0x8e: {  	[smem:$0x3FC6] =	sst s2  }
0x8f: {  	_ = 	snop  }
0x90: {  	s2 =	sld [smem:$0x3FD0];
	(tm) =	ssettm $0x1  }
0x91: {  	s18 =	sld [smem:$0x3FFB];
	_ =	sdelay $0x3  }
0x92: {  	_ =	strace s18  }
0x93: {  	s3 =	sld [smem:$0x3FFC];
	_ =	sdelay $0x3  }
0x94: {  	_ =	strace s3  }
0x95: {  	s3 =	sld [smem:$0x3FFD];
	_ =	sdelay $0x3  }
0x96: {  	_ =	strace s3  }
0x97: {  	_ =	strace $0x8FFFFFFF  }
0x98: {  	s19 =	sld [smem:$0x3FDB];
	_ =	sdelay $0x1  }
0x99: {  	s4 =	simm.s32 $_scs_section_size  }
0x9a: {  	s5 =	simm.s32 $_size__tile_overlayer_lowered;
	s6 =	simm.s32 $_tile_overlayer_lowered  }
0x9b: {  	s22 =	simm.s32 $0x1BFF;
	s21 =	sshll.u32 s6, $0x1;
	s3 =	sadd.s32 s4, s19  }
0x9c: {  	s7 =	simm.s32 $0x0;
	s20 =	sshll.u32 s5, $0x1;
	s5 =	sadd.s32 s21, s3  }
0x9d: {  	[timem:s7], [sflag:s22] =	dma.local [hbm:s5], s20  }
0x9e: {  	_ =	swait.ge [sflag:s22], s20  }
0x9f: {  	s4 =	ssub.s32 $0x0, s20;
	[sflag:s22] =	ssyncset.done $0x0  }
0xa0: {  	[sflag:s22] =	ssyncadd.s32 s4;
	_ =	sdelay $0x1  }
0xa1: {  	s23 =	simm.s32 $0x1B8B  }
0xa2: {  	_ =	swait.ge [sflag:s23], $0x1  }
0xa3: {  	[sflag:s23] =	ssyncset.done $0x0  }
0xa4: {  	s25 =	simm.s32 $0x1B8E;
	s24 =	sld [smem:$0x3FFE];
	[sflag:s23] =	ssyncadd.s32 $0xFFFFFFFF  }
0xa5: {  	s26 =	simm.s32 $execute0_lowered;
	[smem:$0x3FD2] =	sst s25  }
0xa6: {  	s5 =	sshll.u32 s26, $0x1;
	_ =	strace $0x80000046;
	[dreg:$0x1] =	wrdreg $0xFFFFFFFF  }
0xa7: {  	s28 =	simm.s32 $_size_execute0_lowered;
	s3 =	sadd.s32 s3, s5;
	[dreg:$0x0] =	wrdreg $0x0  }
0xa8: {  	s5 =	sshll.u32 s28, $0x1;
	[dreg:$0x2] =	wrdreg s3  }
0xa9: {  	[dreg:$0x3] =	wrdreg s5  }
0xaa: {  	[dreg:$0x4] =	wrdreg $0xC0  }
0xab: {  	_ =	task [dreg:s7], $0x5FFFF  }
0xac: {  	[dreg:$0x1] =	wrdreg $0xFFFFFFFF  }
0xad: {  	[dreg:$0x0] =	wrdreg $0x60  }
0xae: {  	[dreg:$0x2] =	wrdreg s24  }
0xaf: {  	[dreg:$0x3] =	wrdreg s2  }
0xb0: {  	[dreg:$0x4] =	wrdreg $0x9  }
0xb1: {  	_ =	task.clear_ibuf [dreg:s7], $0x5FFFF;
	_ =	strace $0x90000046  }
0xb2: {  	s29 =	simm.s32 $0x9;
	_ =	strace $0x80000048  }
0xb3: {  	_ =	swait.ge [sflag:s29], $0x1  }
0xb4: {  	[sflag:s29] =	ssyncadd.s32 $0xFFFFFFFF  }
0xb5: {  	_ =	strace $0x90000048  }
0xb6: {  	_ =	sfence  }
0xb7: {  	s30 =	sld [smem:$0x0];
	_ =	sdelay $0x2  }
0xb8: {  	s31 =	sshll.u32 s1, $0xD;
	s1 =	sshrl.u32 s1, $0x2  }
0xb9: {  	s3 =	sand.u32 $0x4000, s31;
	s1 =	sadd.s32 s1, s30  }
0xba: {  	s0 =	sor.u32 s3, s0;
	s1 =	sshll.u32 s1, $0x11  }
0xbb: {  	s0 =	sor.u32 s1, s0  }
0xbc: {  	s0 =	sadd.s32 $0x8F2B, s0  }
0xbd: {  	[sflag:s0] =	ssyncadd.remote.s32 $0x1  }
0xbe: {  	_ =	sfence.sel $0xFFFF  }
0xbf: {  	[dreg:$0x0] =	wrdreg $0xFFFFFFFF;
	(pc) =	sbr.abs _section_cstart, $3  }
0xc0: {  	[dreg:$0x1] =	wrdreg $0xFFFFFFFF  }
0xc1: {  	_ =	task.clear_ibuf [dreg:s7], $0x2FFFF;
	_ =	strace $0x9FFFFFFF  }
0xc2: {  	(tm) =	ssettm $0x7FFFFFFF  }
0xc3: {  	_ =	shalt  }
tec
execute0_lowered:
.L_overlay_start_1:
0x0: {  	(tag) =	ssettag $0x1  }
0x1: {  	s2 =	rddreg [dreg:$0x0]  }
0x2: {  	s0 =	stileid.u32;
	s1 =	srdreg.scid  }
0x3: {  	s3 =	rddreg [dreg:$0x1];
	s8 =	simm.s32 $0x1;
	s9 =	simm.s32 $0x3  }
0x4: {  	s10 =	simm.s32 $0x0;
	s4 =	sand.u32 $0x1, s1;
	s5 =	sshll.u32 s0, $0x1  }
0x5: {  	s13 =	simm.s32 $0x0;
	s12 =	simm.s32 $0x0;
	s6 =	sor.u32 s5, s4  }
0x6: {  	s1 =	rddreg [dreg:$0x2];
	_ =	strace $0x80000047;
	s4 =	smul.u32 $0xA0, s6  }
0x7: {  	s5 =	simm.s32 $0x1;
	p0 =	slt.u32 s6, $0x13;
	s6 =	simm.s32 $0x1400  }
.Ltmp0:
0x8: {  	s6 =	simm.s32 @!p0 $0x0;
	s7 =	ssub.s32 $0x1F40, s4;
	(pc) =	sbr.rel .LBB2_1-.Ltmp0, $4  }
0x9: {  	s8 =	simm.s32 @!p0 $0x0;
	p0 =	sne.s32 s7, s6;
	s7 =	simm.s32 $0x1  }
0xa: {  	[sflag:s5] =	ssyncpa.u1 $0x0;
	s6 =	simm.s32 $0x2;
	s7 =	simm.s32 @!p0 $0x0  }
0xb: {  	s11 =	smov.u32 s4;
	[sflag:s6] =	ssyncpa.u1 $0x0;
	s7 =	sadd.s32 s8, s7  }
0xc: {  	vm0 =	vmmov $0xffff;
	s8 =	sadd.s32 $0x5000, s2;
	[sflag:s9] =	ssyncpa.u1 $0x0;
	s9 =	sadd.s32 $0x1, s7  }
.LBB2_4:
0xd: {  	vm1 =	veq.s32 v4, $0x80000000;
	v56 =	vand.u32 $0x7, v4;
	v6 =	vand.u32 $0x7FFF, v6  }
0xe: {  	v2 =	vor.u32 v2, v5;
	v59 =	vshrl.u32 v1, $0x3;
	v60 =	vand.u32 $0x7, v1  }
0xf: {  	v4 =	vsel vm1, $0xFFFFFFFF, v56;
	v6 =	vsel vm1, $0xFFFFFFFF, v6;
	v2 =	vor.u32 v3, v2  }
0x10: {  	vm1 =	veq.s32 v1, $0x80000000;
	v5 =	vand.u32 $0x7FFF, v59;
	v7 =	vshrl.u32 v4, $0x3  }
0x11: {  	v57 =	vshll.u32 v6, $0x3;
	v4 =	vshll.u32 v4, $0x7;
	v1 =	vsel vm1, $0xFFFFFFFF, v60  }
0x12: {  	v5 =	vsel vm1, $0xFFFFFFFF, v5;
	v6 =	vand.u32 $0x7F, v6;
	v7 =	vmul.u32 $0x27400, v7  }
0x13: {  	v58 =	vand.u32 $0xFFFFFC00, v57;
	v4 =	vand.u32 $0x380, v4;
	v61 =	vshrl.u32 v1, $0x3  }
0x14: {  	v62 =	vshll.u32 v5, $0x3;
	v3 =	vadd.s32 v7, v58;
	v7 =	vmul.u32 $0x27400, v61  }
0x15: {  	v1 =	vshll.u32 v1, $0x7;
	v3 =	vor.u32 v4, v3;
	v4 =	vand.u32 $0xFFFFFC00, v62  }
0x16: {  	v1 =	vand.u32 $0x380, v1;
	v3 =	vor.u32 v6, v3;
	v4 =	vadd.s32 v7, v4  }
0x17: {  	[tilespmem:s16], [sflag:$0x1] =	stream.indirect_vreg.gather [hbm4b:s2+s10], $0x1, v0, vm0, $0x4038;
	v63 =	vand.u32 $0x7F, v5;
	v1 =	vor.u32 v1, v4;
	[tilespmem:$0x280] =	vst v63  }
0x18: {  	s15 =	sadd.s32 $0x10, s15;
	(ifvalue) =	ssetifvalue $0x7FFFFFFF;
	v0 =	vor.u32 v63, v1  }
0x19: {  	[tilespmem:s15], [sflag:$0x1] =	stream.indirect_vreg.gather [hbm4b:s2+s10], $0x1, v2, vm0, $0x4038;
	[tilespmem:$0x280] =	vst v63  }
0x1a: {  	s15 =	sadd.s32 $0x10, s15;
	(ifvalue) =	ssetifvalue $0x7FFFFFFF  }
0x1b: {  	[tilespmem:s15], [sflag:$0x1] =	stream.indirect_vreg.gather [hbm4b:s2+s10], $0x1, v3, vm0, $0x4038;
	[tilespmem:$0x280] =	vst v63  }
0x1c: {  	s15 =	sadd.s32 $0x10, s15;
	(ifvalue) =	ssetifvalue $0x7FFFFFFF  }
0x1d: {  	[tilespmem:s15], [sflag:$0x1] =	stream.indirect_vreg.gather [hbm4b:s2+s10], $0x1, v0, vm0, $0x4038;
	[tilespmem:$0x280] =	vst v63  }
0x1e: {  	_ =	swait.ge [sflag:s5], $0xA0  }
0x1f: {  	s30 =	sshrl.u32 s13, $0x3;
	[sflag:s5] =	ssyncset.done $0x0  }
0x20: {  	s31 =	sand.u32 $0x7, s13;
	s15 =	sadd.s32 s8, s30;
	[sflag:s5] =	ssyncadd.s32 $0xFFFFFF60  }
0x21: {  	[hbm4b:s15+s31] =	stream.linear.scatter [tilespmem:s14], [sflag:$0x3], $0xA0, $0x38;
	[tilespmem:$0x280] =	vst v63  }
.LBB2_5:
0x22: {  	s15 =	sadd.s32 $0x1400, s11  }
0x23: {  	p1 =	sgt.s32 s15, $0x1F3F  }
0x24: {  	s15 =	smov.u32 @p1 s4;
	p1 =	sne.s32 s12, s9  }
.Ltmp1:
0x25: {  	p0 =	slt.u32 s12, $0x2;
	(pc) =	sbr.rel @!p1 .LBB2_6-.Ltmp1, $4  }
0x26: {  	s14 =	simm.s32 @!p0 $0x3  }
0x27: {  	_ =	swait.ge @!p0 [sflag:s14], $0xA0  }
0x28: {  	s16 =	sadd.s32 $0x1, s12;
	s13 =	smov.u32 s11;
	[sflag:s14] =	ssyncset.done @!p0 $0x0  }
0x29: {  	s12 =	smov.u32 s16;
	s11 =	smov.u32 s15;
	[sflag:s14] =	ssyncadd.s32 @!p0 $0xFFFFFF60  }
.LBB2_1:
0x2a: {  	p0 =	sge.u32 s12, s7  }
0x2b: {  	s14 =	sxor.u32 @!p0 $0x1, s12  }
0x2c: {  	s14 =	smul.u32 @!p0 $0x280, s14  }
0x2d: {  	s31 =	sadd.s32 $0xFFFFFFFF, s12;
	s15 =	sshrl.u32 @!p0 s11, $0x3  }
0x2e: {  	s16 =	sand.u32 @!p0 $0x7, s11;
	s15 =	sadd.s32 @!p0 s3, s15;
	s14 =	sshra.s32 @!p0 s14, $0x2  }
0x2f: {  	[tilespmem:s14], [sflag:$0x2] =	stream.linear.gather @!p0 [hbm4b:s15+s16], $0xA0, $0x38;
	[tilespmem:$0x280] =	vst v63  }
0x30: {  	p0 =	sge.u32 s31, s7  }
.Ltmp2:
0x31: {  	_ = 	snop;
	(pc) =	sbr.rel @p0 .LBB2_5-.Ltmp2, $1  }
0x32: {  	_ =	sdelay $0x3  }
0x33: {  	s14 =	sand.u32 $0x1, s12  }
0x34: {  	_ =	swait.ge [sflag:s6], $0xA0;
	p0 =	seq.s32 s14, $0x1;
	s14 =	simm.s32 $0xA0  }
0x35: {  	[sflag:s6] =	ssyncset.done $0x0;
	s14 =	simm.s32 @!p0 $0x0  }
0x36: {  	[sflag:s6] =	ssyncadd.s32 $0xFFFFFF60;
	(ifvalue) =	ssetifvalue $0x7FFFFFFF;
	v0 =	vld.msk [tilespmem:s14+$0x0 ss:$0x1], $0xffff  }
0x37: {  	s15 =	sadd.s32 $0x10, s14  }
0x38: {  	v1 =	vld.msk [tilespmem:s15+$0x0 ss:$0x1], $0xffff;
	_ =	sdelay $0x2  }
0x39: {  	v2 =	vshrl.u32 v0, $0x3  }
0x3a: {  	vm1 =	veq.s32 v0, $0x80000000;
	v0 =	vand.u32 $0x7, v0;
	v2 =	vand.u32 $0x7FFF, v2  }
0x3b: {  	v0 =	vsel vm1, $0xFFFFFFFF, v0;
	v6 =	vshrl.u32 v1, $0x3;
	v2 =	vsel vm1, $0xFFFFFFFF, v2  }
0x3c: {  	v3 =	vshrl.u32 v0, $0x3;
	v0 =	vshll.u32 v0, $0x7;
	vm1 =	veq.s32 v1, $0x80000000  }
0x3d: {  	s15 =	sadd.s32 $0x10, s15;
	v1 =	vand.u32 $0x7, v1;
	v4 =	vshll.u32 v2, $0x3;
	v3 =	vmul.u32 $0x27400, v3  }
0x3e: {  	v0 =	vand.u32 $0x380, v0;
	v7 =	vand.u32 $0x7F, v2;
	v5 =	vand.u32 $0xFFFFFC00, v4;
	v4 =	vld.msk [tilespmem:s15+$0x0 ss:$0x1], $0xffff  }
0x3f: {  	v1 =	vsel vm1, $0xFFFFFFFF, v1;
	v2 =	vadd.s32 v3, v5;
	v3 =	vand.u32 $0x7FFF, v6  }
0x40: {  	v3 =	vsel vm1, $0xFFFFFFFF, v3;
	v0 =	vor.u32 v0, v2;
	v2 =	vshrl.u32 v1, $0x3  }
0x41: {  	v1 =	vshll.u32 v1, $0x7;
	v5 =	vshll.u32 v3, $0x3;
	v8 =	vmul.u32 $0x27400, v2  }
0x42: {  	s18 =	simm.s32 $0x30;
	s14 =	sor.u32 $0x140, s14;
	s17 =	sadd.s32 $0x10, s15;
	v2 =	vand.u32 $0x380, v1;
	v0 =	vor.u32 v7, v0;
	v5 =	vand.u32 $0xFFFFFC00, v5  }
0x43: {  	s16 =	smov.u32 s14;
	s15 =	smov.u32 s14;
	v1 =	vld.msk [tilespmem:s17+$0x0 ss:$0x1], $0xffff;
	v3 =	vand.u32 $0x7F, v3;
	(ifvalue) =	ssetifvalue $0x7FFFFFFF;
	v6 =	vshrl.u32 v4, $0x3;
	v5 =	vadd.s32 v8, v5  }
.LBB2_3:
0x44: {  	s18 =	sadd.s32 $0x10, s18  }
0x45: {  	vm1 =	veq.s32 v4, $0x80000000;
	v4 =	vand.u32 $0x7, v4;
	v6 =	vand.u32 $0x7FFF, v6;
	s15 =	sadd.s32 $0x10, s15;
	p0 =	slt.u32 s18, $0x90  }
.Ltmp3:
0x46: {  	v5 =	vor.u32 v2, v5;
	v4 =	vsel vm1, $0xFFFFFFFF, v4;
	v7 =	vsel vm1, $0xFFFFFFFF, v6;
	(pc) =	sbr.rel @p0 .LBB2_3-.Ltmp3, $4  }
0x47: {  	v2 =	vshrl.u32 v4, $0x3;
	v6 =	vshll.u32 v7, $0x3;
	v4 =	vshll.u32 v4, $0x7;
	[tilespmem:s16], [sflag:$0x1] =	stream.indirect_vreg.gather [hbm4b:s2+s10], $0x1, v0, vm0, $0x4038;
	[tilespmem:$0x280] =	vst v63  }
0x48: {  	v0 =	vor.u32 v3, v5;
	s16 =	smov.u32 s15;
	v8 =	vmul.u32 $0x27400, v2;
	v2 =	vand.u32 $0x380, v4  }
0x49: {  	s17 =	sadd.s32 $0x10, s17;
	v9 =	vand.u32 $0xFFFFFC00, v6  }
0x4a: {  	v3 =	vand.u32 $0x7F, v7;
	v6 =	vshrl.u32 v1, $0x3;
	v5 =	vadd.s32 v8, v9;
	(ifvalue) =	ssetifvalue $0x7FFFFFFF;
	v4 =	vmovc v1;
	v1 =	vld.msk [tilespmem:s17+$0x0 ss:$0x1], $0xffff  }
.Ltmp4:
0x4b: {  	_ = 	snop;
	(pc) =	sbr.rel .LBB2_4-.Ltmp4, $1  }
0x4c: {  	_ =	sdelay $0x3  }
.LBB2_6:
0x4d: {  	_ =	sfence.sel $0x180000  }
0x4e: {  	s2 =	simm.s32 $0x2;
	[bflag:$0x0] =	sbarrier.arrive $0xFFFF  }
0x4f: {  	s30 =	simm.s32 $0x3;
	[sflag:s2] =	ssyncpa.u1 $0x1  }
0x50: {  	s31 =	simm.s32 $0x1;
	[sflag:s30] =	ssyncpa.u1 $0x1  }
0x51: {  	[sflag:s31] =	ssyncpa.u1 $0x1  }
0x52: {  	p0 =	sne.s32 s0, $0x0;
	_ =	strace $0x90000047  }
0x53: {  	s0 =	sadd.s32 @!p0 $0x100000, s1;
	[bflag:$0x2] =	sbarrier.arrive $0xFFFF  }
0x54: {  	[sflag:s0] =	ssyncadd.tile.s32 @!p0 $0x1;
	_ =	shalt  }
.Lfunc_end2:
_tile_overlayer_lowered:
.L_overlay_start_2:
0x55: {  	(tag) =	ssettag $0x2  }
0x56: {  	s0 =	rddreg [dreg:$0x0];
	s2 =	stileid.u32  }
0x57: {  	s1 =	rddreg [dreg:$0x1];
	p0 =	sne.s32 s2, $0x0  }
0x58: {  	s3 =	rddreg [dreg:$0x2];
	[bflag:$0x3] =	sbarrier.arrive $0xFFFF;
	s2 =	simm.s32 @!p0 $0x1C01  }
0x59: {  	[timem:s3], [sflag:s2] =	dma.local @!p0 [hbm:s0], s1  }
0x5a: {  	s0 =	simm.s32 @!p0 $0x1  }
0x5b: {  	_ =	swait.ge @!p0 [sflag:s0], s1  }
0x5c: {  	s1 =	ssub.s32 @!p0 $0x0, s1;
	[sflag:s0] =	ssyncset.done @!p0 $0x0  }
0x5d: {  	[sflag:s0] =	ssyncadd.s32 @!p0 s1  }
0x5e: {  	[bflag:$0x3] =	sbarrier.arrive $0xFFFF  }
0x5f: {  	_ =	shalt  }

// kernel: gather_offload_async_start
scs
__scs_entry_jumppad:
0x0: {  	(pc) =	sbr.rel $0x88, $3  }
0x1: {  	(tag) =	ssettag $0x0;
	lr =	simm.s32 $0x1  }
0x2: {  	[smem:$0x3F9F] =	sst lr;
	_ =	strace $0xD0000000  }
0x3: {  	_ = 	snop  }
0x4: {  	_ = 	snop  }
0x5: {  	_ = 	snop  }
0x6: {  	_ = 	snop  }
0x7: {  	_ = 	snop  }
__scs_overlays_trampoline_lowered:
0x8: {  	[smem:$0x3FAE] =	sst s0  }
0x9: {  	[smem:$0x3FAF] =	sst s1  }
0xa: {  	[smem:$0x3FB0] =	sst s2  }
0xb: {  	[smem:$0x3FB1] =	sst s3  }
0xc: {  	[smem:$0x3FB2] =	sst s4  }
0xd: {  	[smem:$0x3FB3] =	sst s5  }
0xe: {  	[smem:$0x3FB4] =	sst s6  }
0xf: {  	[smem:$0x3FB5] =	sst s7  }
0x10: {  	[smem:$0x3FB6] =	sst s8  }
0x11: {  	[smem:$0x3FB7] =	sst s9;
	s0 =	simm.s32 @!p0 $0x0  }
0x12: {  	s1 =	sld [smem:$0x3F9D];
	s0 =	simm.s32 @p0 $0x1  }
0x13: {  	[smem:$0x3FB8] =	sst s0;
	s0 =	simm.s32 @!p1 $0x0  }
0x14: {  	s2 =	sld [smem:$0x3F9C];
	s0 =	simm.s32 @p1 $0x1  }
0x15: {  	[smem:$0x3FB9] =	sst s0;
	s0 =	simm.s32 @!p2 $0x0  }
0x16: {  	s3 =	sld [smem:$0x3FDB];
	s0 =	simm.s32 @p2 $0x1  }
0x17: {  	s4 =	simm.s32 $0x1BF5;
	[smem:$0x3FBB] =	sst s0  }
0x18: {  	s0 =	sld [smem:$0x3F9E];
	_ =	swait.ge [sflag:s4], $0x0  }
0x19: {  	s7 =	sld [smem:$0x3F9F]  }
0x1a: {  	s8 =	sadd.s32 $0xFFFFE003, lr  }
0x1b: {  	s9 =	sadd.s32 $0xFFFFFEF7, lr;
	s5 =	simm.s32 $0xFFFFFFFF;
	p2 =	slt.u32 s8, $0xFFFFF086  }
0x1c: {  	p1 =	slt.u32 s9, $0xF7A;
	s5 =	simm.s32 @!p2 $0x0  }
0x1d: {  	s5 =	simm.s32 @p1 $0x1;
	p0 =	seq.s32 s7, s2  }
0x1e: {  	s7 =	smul.u32 @!p0 $0xF7A, s2;
	p2 =	seq.s32 @!p0 s5, $0x0  }
0x1f: {  	s9 =	smul.u32 $0xF7A, s1;
	s8 =	simm.s32 @!p0 $0x1BF5;
	p2 =	por !p2, p0  }
0x20: {  	[sflag:s8] =	ssyncset.s32 @!p0 $0xFFFFF086;
	s6 =	sadd.s32 @!p0 s3, s7;
	s7 =	simm.s32 @!p0 $0x108  }
0x21: {  	s3 =	sadd.s32 s3, s9;
	s6 =	sadd.s32 @!p0 $0x88, s6;
	s7 =	simm.s32 @p2 $0x1082  }
0x22: {  	[simem:s7], [sflag:s8] =	dma.local @!p0 [hbm:s6], $0xF7A  }
0x23: {  	s9 =	sor.u32 $0xD0000000, s2;
	s6 =	simm.s32 $0x108;
	_ =	swait.ge @!p0 [sflag:s8], $0x0  }
0x24: {  	s3 =	sadd.s32 $0x88, s3;
	s6 =	simm.s32 @!p1 $0x1082;
	[sflag:s4] =	ssyncset.s32 $0xFFFFF086  }
0x25: {  	[simem:s6], [sflag:s4] =	dma.local [hbm:s3], $0xF7A  }
0x26: {  	[smem:$0x3F9F] =	sst s1;
	(tag) =	ssettag s2;
	_ =	strace s9  }
0x27: {  	s1 =	sld [smem:$0x3FAF]  }
0x28: {  	s2 =	sld [smem:$0x3FB0]  }
0x29: {  	s4 =	sld [smem:$0x3FB2]  }
0x2a: {  	p0 =	seq.s32 s5, $0x0;
	s5 =	sld [smem:$0x3FB3]  }
0x2b: {  	s6 =	sld [smem:$0x3FB4]  }
0x2c: {  	s7 =	sld [smem:$0x3FB5]  }
0x2d: {  	s3 =	simm.s32 $0x108;
	s8 =	sld [smem:$0x3FB6]  }
0x2e: {  	s3 =	simm.s32 @!p0 $0x1082;
	s9 =	sld [smem:$0x3FB7]  }
0x2f: {  	lr =	sadd.s32 s0, s3;
	s0 =	sld [smem:$0x3FAE]  }
0x30: {  	s3 =	sld [smem:$0x3FB1]  }
0x31: {  	[smem:$0x3FBA] =	sst s10  }
0x32: {  	s10 =	sld [smem:$0x3FB8];
	_ =	sdelay $0x3  }
0x33: {  	p0 =	seq.s32 s10, $0x1;
	s10 =	sld [smem:$0x3FBA];
	_ =	sdelay $0x3  }
0x34: {  	[smem:$0x3FBA] =	sst s10  }
0x35: {  	s10 =	sld [smem:$0x3FB9];
	_ =	sdelay $0x3  }
0x36: {  	p1 =	seq.s32 s10, $0x1;
	s10 =	sld [smem:$0x3FBA];
	_ =	sdelay $0x3  }
0x37: {  	[smem:$0x3FBA] =	sst s10  }
0x38: {  	s10 =	sld [smem:$0x3FBB]  }
0x39: {  	_ = 	snop;
	(pc) =	sbr.ind lr, $3  }
0x3a: {  	_ = 	snop  }
0x3b: {  	_ = 	snop  }
0x3c: {  	p2 =	seq.s32 s10, $0x1;
	s10 =	sld [smem:$0x3FBA]  }
0x3d: {  	_ =	shalt  }
0x3e: {  	_ =	shalt  }
0x3f: {  	_ =	shalt  }
0x40: {  	_ =	shalt  }
0x41: {  	_ =	shalt  }
0x42: {  	_ =	shalt  }
0x43: {  	_ =	shalt  }
0x44: {  	_ =	shalt  }
0x45: {  	_ =	shalt  }
0x46: {  	_ =	shalt  }
0x47: {  	_ =	shalt  }
0x48: {  	_ =	shalt  }
0x49: {  	_ =	shalt  }
0x4a: {  	_ =	shalt  }
0x4b: {  	_ =	shalt  }
0x4c: {  	_ =	shalt  }
0x4d: {  	_ =	shalt  }
0x4e: {  	_ =	shalt  }
0x4f: {  	_ =	shalt  }
0x50: {  	_ =	shalt  }
0x51: {  	_ =	shalt  }
0x52: {  	_ =	shalt  }
0x53: {  	_ =	shalt  }
0x54: {  	_ =	shalt  }
0x55: {  	_ =	shalt  }
0x56: {  	_ =	shalt  }
0x57: {  	_ =	shalt  }
0x58: {  	_ =	shalt  }
0x59: {  	_ =	shalt  }
0x5a: {  	_ =	shalt  }
0x5b: {  	_ =	shalt  }
0x5c: {  	_ =	shalt  }
0x5d: {  	_ =	shalt  }
0x5e: {  	_ =	shalt  }
0x5f: {  	_ =	shalt  }
0x60: {  	_ =	shalt  }
0x61: {  	_ =	shalt  }
0x62: {  	_ =	shalt  }
0x63: {  	_ =	shalt  }
0x64: {  	_ =	shalt  }
0x65: {  	_ =	shalt  }
0x66: {  	_ =	shalt  }
0x67: {  	_ =	shalt  }
0x68: {  	_ =	shalt  }
0x69: {  	_ =	shalt  }
0x6a: {  	_ =	shalt  }
0x6b: {  	_ =	shalt  }
0x6c: {  	_ =	shalt  }
0x6d: {  	_ =	shalt  }
0x6e: {  	_ =	shalt  }
0x6f: {  	_ =	shalt  }
0x70: {  	_ =	shalt  }
0x71: {  	_ =	shalt  }
0x72: {  	_ =	shalt  }
0x73: {  	_ =	shalt  }
0x74: {  	_ =	shalt  }
0x75: {  	_ =	shalt  }
0x76: {  	_ =	shalt  }
0x77: {  	_ =	shalt  }
0x78: {  	_ =	shalt  }
0x79: {  	_ =	shalt  }
0x7a: {  	_ =	shalt  }
0x7b: {  	_ =	shalt  }
0x7c: {  	_ =	shalt  }
0x7d: {  	_ =	shalt  }
0x7e: {  	_ =	shalt  }
0x7f: {  	_ =	shalt  }
0x80: {  	_ =	shalt  }
0x81: {  	_ =	shalt  }
0x82: {  	_ =	shalt  }
0x83: {  	_ =	shalt  }
0x84: {  	_ =	shalt  }
0x85: {  	_ =	shalt  }
0x86: {  	_ =	shalt  }
0x87: {  	_ =	shalt  }
.Lfunc_end0:
.L_simem_size_0:
called_computation_lowered:
.L_overlay_start_0:
0x88: {  	s2 =	sld [smem:$0x3FD9]  }
0x89: {  	s3 =	sld [smem:$0x3FFE];
	_ =	sdelay $0x1  }
0x8a: {  	s1 =	srdreg.scid  }
0x8b: {  	s0 =	sand.u32 $0x1, s1  }
0x8c: {  	s17 =	sshll.u32 s0, $0xA;
	s2 =	sadd.s32 s3, s2  }
0x8d: {  	s2 =	sadd.s32 s2, s17  }
0x8e: {  	[smem:$0x3FC6] =	sst s2  }
0x8f: {  	_ = 	snop  }
0x90: {  	s2 =	sld [smem:$0x3FD0];
	(tm) =	ssettm $0x1  }
0x91: {  	s18 =	sld [smem:$0x3FFB];
	_ =	sdelay $0x3  }
0x92: {  	_ =	strace s18  }
0x93: {  	s3 =	sld [smem:$0x3FFC];
	_ =	sdelay $0x3  }
0x94: {  	_ =	strace s3  }
0x95: {  	s3 =	sld [smem:$0x3FFD];
	_ =	sdelay $0x3  }
0x96: {  	_ =	strace s3  }
0x97: {  	_ =	strace $0x8FFFFFFF  }
0x98: {  	s19 =	sld [smem:$0x3FDB];
	_ =	sdelay $0x1  }
0x99: {  	s4 =	simm.s32 $_scs_section_size  }
0x9a: {  	s5 =	simm.s32 $_size__tile_overlayer_lowered;
	s6 =	simm.s32 $_tile_overlayer_lowered  }
0x9b: {  	s22 =	simm.s32 $0x1BFF;
	s21 =	sshll.u32 s6, $0x1;
	s3 =	sadd.s32 s4, s19  }
0x9c: {  	s7 =	simm.s32 $0x0;
	s20 =	sshll.u32 s5, $0x1;
	s5 =	sadd.s32 s21, s3  }
0x9d: {  	[timem:s7], [sflag:s22] =	dma.local [hbm:s5], s20  }
0x9e: {  	_ =	swait.ge [sflag:s22], s20  }
0x9f: {  	s4 =	ssub.s32 $0x0, s20;
	[sflag:s22] =	ssyncset.done $0x0  }
0xa0: {  	[sflag:s22] =	ssyncadd.s32 s4;
	_ =	sdelay $0x1  }
0xa1: {  	s23 =	simm.s32 $0x1B8B  }
0xa2: {  	_ =	swait.ge [sflag:s23], $0x1  }
0xa3: {  	[sflag:s23] =	ssyncset.done $0x0  }
0xa4: {  	s25 =	simm.s32 $0x1B8E;
	s24 =	sld [smem:$0x3FFE];
	[sflag:s23] =	ssyncadd.s32 $0xFFFFFFFF  }
0xa5: {  	s26 =	simm.s32 $execute0_lowered;
	[smem:$0x3FD2] =	sst s25  }
0xa6: {  	s5 =	sshll.u32 s26, $0x1;
	_ =	strace $0x80000049;
	[dreg:$0x1] =	wrdreg $0xFFFFFFFF  }
0xa7: {  	s28 =	simm.s32 $_size_execute0_lowered;
	s3 =	sadd.s32 s3, s5;
	[dreg:$0x0] =	wrdreg $0x0  }
0xa8: {  	s5 =	sshll.u32 s28, $0x1;
	[dreg:$0x2] =	wrdreg s3  }
0xa9: {  	[dreg:$0x3] =	wrdreg s5  }
0xaa: {  	[dreg:$0x4] =	wrdreg $0xC0  }
0xab: {  	_ =	task [dreg:s7], $0x5FFFF  }
0xac: {  	[dreg:$0x1] =	wrdreg $0xFFFFFFFF  }
0xad: {  	[dreg:$0x0] =	wrdreg $0x60  }
0xae: {  	[dreg:$0x2] =	wrdreg s24  }
0xaf: {  	[dreg:$0x3] =	wrdreg s2  }
0xb0: {  	[dreg:$0x4] =	wrdreg $0x9  }
0xb1: {  	_ =	task.clear_ibuf [dreg:s7], $0x5FFFF;
	_ =	strace $0x90000049  }
0xb2: {  	s29 =	simm.s32 $0x9;
	_ =	strace $0x8000004B  }
0xb3: {  	_ =	swait.ge [sflag:s29], $0x1  }
0xb4: {  	[sflag:s29] =	ssyncadd.s32 $0xFFFFFFFF  }
0xb5: {  	_ =	strace $0x9000004B  }
0xb6: {  	_ =	sfence  }
0xb7: {  	s30 =	sld [smem:$0x0];
	_ =	sdelay $0x2  }
0xb8: {  	s31 =	sshll.u32 s1, $0xD;
	s1 =	sshrl.u32 s1, $0x2  }
0xb9: {  	s3 =	sand.u32 $0x4000, s31;
	s1 =	sadd.s32 s1, s30  }
0xba: {  	s0 =	sor.u32 s3, s0;
	s1 =	sshll.u32 s1, $0x11  }
0xbb: {  	s0 =	sor.u32 s1, s0  }
0xbc: {  	s0 =	sadd.s32 $0x8F2B, s0  }
0xbd: {  	[sflag:s0] =	ssyncadd.remote.s32 $0x1  }
0xbe: {  	_ =	sfence.sel $0xFFFF  }
0xbf: {  	[dreg:$0x0] =	wrdreg $0xFFFFFFFF;
	(pc) =	sbr.abs _section_cstart, $3  }
0xc0: {  	[dreg:$0x1] =	wrdreg $0xFFFFFFFF  }
0xc1: {  	_ =	task.clear_ibuf [dreg:s7], $0x2FFFF;
	_ =	strace $0x9FFFFFFF  }
0xc2: {  	(tm) =	ssettm $0x7FFFFFFF  }
0xc3: {  	_ =	shalt  }
tec
execute0_lowered:
.L_overlay_start_1:
0x0: {  	(tag) =	ssettag $0x1  }
0x1: {  	s0 =	srdreg.scid  }
0x2: {  	s1 =	sshll.u32 s0, $0x4  }
0x3: {  	s0 =	stileid.u32;
	s1 =	sand.u32 $0x10, s1  }
0x4: {  	s2 =	sor.u32 s0, s1  }
0x5: {  	s1 =	smin.u32 s2, $0x12  }
0x6: {  	s1 =	sadd.s32 s2, s1  }
0x7: {  	p0 =	slt.u32 s2, $0x12;
	s2 =	simm.s32 $0x140;
	s1 =	smul.u32 $0xA0, s1  }
0x8: {  	s2 =	simm.s32 @!p0 $0xA0  }
0x9: {  	s2 =	sadd.s32 s2, s1  }
0xa: {  	s3 =	smin.u32 s2, $0x1F40  }
0xb: {  	s7 =	ssub.s32 s3, s1  }
0xc: {  	p0 =	sgt.s32 s7, $0x0  }
0xd: {  	s7 =	simm.s32 @!p0 $0x0  }
0xe: {  	s4 =	rddreg [dreg:$0x0];
	s31 =	smul.u32 $0xCCCD, s7  }
0xf: {  	s5 =	rddreg [dreg:$0x1]  }
0x10: {  	s6 =	simm.s32 $0x1;
	s10 =	simm.s32 $0x3;
	s8 =	sshrl.u32 s31, $0x17  }
0x11: {  	s13 =	simm.s32 $0x0;
	s12 =	simm.s32 $0x0;
	s9 =	smul.u32 $0xA0, s8  }
.Ltmp0:
0x12: {  	s11 =	smov.u32 s1;
	s2 =	rddreg [dreg:$0x2];
	(pc) =	sbr.rel .LBB2_1-.Ltmp0, $4  }
0x13: {  	_ =	strace $0x8000004A;
	p0 =	sne.s32 s7, s9;
	s9 =	simm.s32 $0x1  }
0x14: {  	[sflag:s6] =	ssyncpa.u1 $0x0;
	s7 =	simm.s32 $0x2;
	s9 =	simm.s32 @!p0 $0x0  }
0x15: {  	[sflag:s7] =	ssyncpa.u1 $0x0;
	p0 =	por $0x0, $0x0;
	s8 =	sadd.s32 s8, s9  }
0x16: {  	vm0 =	vmmov $0xff;
	vm1 =	vcmask $0x3F20;
	s9 =	sadd.s32 $0x271000, s4;
	[sflag:s10] =	ssyncpa.u1 $0x0;
	s10 =	sadd.s32 $0x1, s8  }
.LBB2_6:
0x17: {  	[hbm:s17] =	stream.linear.scatter [tilespmem:s14], [sflag:$0x3], $0x400, $0x38;
	[tilespmem:$0xA140] =	vst v63  }
.LBB2_7:
0x18: {  	s13 =	sadd.s32 $0xA0, s11  }
0x19: {  	s15 =	smov.u32 s1;
	p2 =	slt.s32 s13, s3  }
0x1a: {  	s15 =	smov.u32 @p2 s13;
	p2 =	sne.s32 s12, s10  }
.Ltmp1:
0x1b: {  	p1 =	slt.u32 s12, $0x2;
	(pc) =	sbr.rel @!p2 .LBB2_8-.Ltmp1, $4  }
0x1c: {  	s14 =	simm.s32 @!p1 $0x3  }
0x1d: {  	s16 =	sadd.s32 $0x1, s12;
	_ =	swait.ge @!p1 [sflag:s14], $0x5000  }
0x1e: {  	p0 =	por !p0, !p0;
	s13 =	smov.u32 s11;
	[sflag:s14] =	ssyncset.done @!p1 $0x0  }
0x1f: {  	s12 =	smov.u32 s16;
	s11 =	smov.u32 s15;
	[sflag:s14] =	ssyncadd.s32 @!p1 $0xFFFFB000  }
.LBB2_1:
0x20: {  	p1 =	sge.u32 s12, s8  }
0x21: {  	s14 =	sxor.u32 @!p1 $0xFFFFFFFF, s12  }
0x22: {  	s14 =	sand.u32 @!p1 $0x1, s14  }
0x23: {  	s14 =	smul.u32 @!p1 $0x280, s14  }
0x24: {  	s31 =	sadd.s32 $0xFFFFFFFF, s12;
	s15 =	sshrl.u32 @!p1 s11, $0x3  }
0x25: {  	s16 =	sand.u32 @!p1 $0x7, s11;
	s15 =	sadd.s32 @!p1 s5, s15;
	s14 =	sshrl.u32 @!p1 s14, $0x2  }
0x26: {  	[tilespmem:s14], [sflag:$0x2] =	stream.linear.gather @!p1 [hbm4b:s15+s16], $0xA0, $0x38;
	[tilespmem:$0xA140] =	vst v63  }
0x27: {  	p1 =	sge.u32 s31, s8  }
.Ltmp2:
0x28: {  	_ = 	snop;
	(pc) =	sbr.rel @p1 .LBB2_7-.Ltmp2, $1  }
0x29: {  	_ =	sdelay $0x3  }
0x2a: {  	s14 =	simm.s32 $0x1  }
0x2b: {  	s14 =	simm.s32 @!p0 $0x0  }
0x2c: {  	s15 =	smul.u32 $0x280, s14  }
0x2d: {  	_ =	swait.ge [sflag:s7], $0xA0  }
0x2e: {  	[sflag:s7] =	ssyncset.done $0x0;
	s16 =	sshrl.u32 s15, $0x2  }
0x2f: {  	[sflag:s7] =	ssyncadd.s32 $0xFFFFFF60;
	s15 =	sadd.s32 $0x0, s16  }
0x30: {  	v0 =	vld.msk [tilespmem:s15+$0x0 ss:$0x1], $0xffff;
	_ =	sdelay $0x4  }
0x31: {  	v1 =	vand.u32 $0x7, v0;
	v2 =	vshll.u32 v0, $0x4  }
0x32: {  	vm2 =	veq.s32 v0, $0x80000000;
	v0 =	vmul.u32 $0x271000, v1;
	v1 =	vand.u32 $0x3FFF80, v2  }
0x33: {  	v1 =	vsel vm2, $0xFFFFFF80, v1  }
0x34: {  	v0 =	vsel vm2, $0xFFD8F000, v0;
	v2 =	vand.u32 $0xFFFFFC00, v1  }
0x35: {  	v1 =	vand.u32 $0x380, v1;
	v0 =	vadd.s32 v0, v2  }
0x36: {  	v0 =	vor.u32 v1, v0  }
0x37: {  	v0 =	vshrl.u32 v0, $0x3  }
0x38: {  	s14 =	smul.u32 $0x14000, s14;
	_ =	sdelay $0x1  }
0x39: {  	s14 =	sshrl.u32 s14, $0x2  }
0x3a: {  	s14 =	sor.u32 $0x140, s14  }
0x3b: {  	[tilespmem:s14], [sflag:$0x1] =	stream.indirect_vreg.gather [hbm:s9], $0x80, v0, vm0, $0x38;
	[tilespmem:$0xA140] =	vst v63  }
0x3c: {  	s17 =	sadd.s32 $0x10, s16;
	s15 =	sadd.s32 $0x400, s14  }
0x3d: {  	[tilespmem:s15], [sflag:$0x1] =	stream.indirect_vreg.gather [hbm:s9], $0x80, v0, vm1, $0x38;
	[tilespmem:$0xA140] =	vst v63  }
0x3e: {  	s18 =	simm.s32 $0x80;
	v0 =	vld.msk [tilespmem:s17+$0x0 ss:$0x1], $0xffff;
	s17 =	smov.u32 s14  }
.LBB2_3:
0x3f: {  	p1 =	sne.s32 s18, $0x240;
	_ =	sdelay $0x4  }
0x40: {  	v1 =	vand.u32 $0x7, v0;
	v2 =	vshll.u32 v0, $0x4  }
0x41: {  	vm2 =	veq.s32 v0, $0x80000000;
	v0 =	vmul.u32 $0x271000, v1;
	v1 =	vand.u32 $0x3FFF80, v2  }
0x42: {  	v1 =	vsel vm2, $0xFFFFFF80, v1  }
0x43: {  	v0 =	vsel vm2, $0xFFD8F000, v0;
	v2 =	vand.u32 $0xFFFFFC00, v1  }
0x44: {  	v1 =	vand.u32 $0x380, v1;
	v0 =	vadd.s32 v0, v2  }
0x45: {  	v0 =	vor.u32 v1, v0  }
0x46: {  	v0 =	vshrl.u32 v0, $0x3;
	_ =	sdelay $0x3  }
.Ltmp3:
0x47: {  	s19 =	sshra.s32 s18, $0x2;
	s17 =	sadd.s32 $0x800, s17;
	(pc) =	sbr.rel @p1 .LBB2_3-.Ltmp3, $4  }
0x48: {  	[tilespmem:s17], [sflag:$0x1] =	stream.indirect_vreg.gather [hbm:s9], $0x80, v0, vm0, $0x38;
	[tilespmem:$0xA140] =	vst v63  }
0x49: {  	s19 =	sadd.s32 s19, s16;
	s20 =	sadd.s32 $0x400, s17  }
0x4a: {  	[tilespmem:s20], [sflag:$0x1] =	stream.indirect_vreg.gather [hbm:s9], $0x80, v0, vm1, $0x38;
	[tilespmem:$0xA140] =	vst v63  }
0x4b: {  	s18 =	sadd.s32 $0x40, s18;
	v0 =	vld.msk [tilespmem:s19+$0x0 ss:$0x1], $0xffff  }
0x4c: {  	_ =	sdelay $0x3  }
0x4d: {  	v1 =	vand.u32 $0x7, v0;
	v2 =	vshll.u32 v0, $0x4  }
0x4e: {  	vm2 =	veq.s32 v0, $0x80000000;
	v61 =	vmul.u32 $0x271000, v1;
	v62 =	vand.u32 $0x3FFF80, v2  }
0x4f: {  	v1 =	vsel vm2, $0xFFFFFF80, v62  }
0x50: {  	v0 =	vsel vm2, $0xFFD8F000, v61;
	v63 =	vand.u32 $0xFFFFFC00, v1  }
0x51: {  	v1 =	vand.u32 $0x380, v1;
	v0 =	vadd.s32 v0, v63  }
0x52: {  	v0 =	vor.u32 v1, v0  }
0x53: {  	v0 =	vshrl.u32 v0, $0x3;
	_ =	sdelay $0x3  }
0x54: {  	s16 =	sadd.s32 $0x800, s17  }
0x55: {  	[tilespmem:s16], [sflag:$0x1] =	stream.indirect_vreg.gather [hbm:s9], $0x80, v0, vm0, $0x38;
	[tilespmem:$0xA140] =	vst v63  }
0x56: {  	s16 =	sadd.s32 $0x400, s16  }
0x57: {  	[tilespmem:s16], [sflag:$0x1] =	stream.indirect_vreg.gather [hbm:s9], $0x80, v0, vm1, $0x38;
	[tilespmem:$0xA140] =	vst v63  }
0x58: {  	s13 =	sshll.u32 s13, $0x4;
	_ =	swait.ge [sflag:s6], $0x5000  }
0x59: {  	s13 =	sadd.s32 s13, s4;
	[sflag:s6] =	ssyncset.done $0x0  }
0x5a: {  	s17 =	sadd.s32 $0x0, s13;
	s16 =	simm.s32 $0x80;
	[sflag:s6] =	ssyncadd.s32 $0xFFFFB000  }
.LBB2_5:
0x5b: {  	[hbm:s17] =	stream.linear.scatter [tilespmem:s14], [sflag:$0x3], $0x400, $0x38;
	[tilespmem:$0xA140] =	vst v63  }
0x5c: {  	s17 =	smov.u32 s16;
	s14 =	smov.u32 s15;
	p1 =	sne.s32 s16, $0x980  }
.Ltmp4:
0x5d: {  	s16 =	sadd.s32 $0x80, s16;
	(pc) =	sbr.rel @p1 .LBB2_5-.Ltmp4, $2  }
0x5e: {  	_ =	sdelay $0x2  }
0x5f: {  	s15 =	sadd.s32 $0x400, s15;
	s17 =	sadd.s32 s17, s13  }
.Ltmp5:
0x60: {  	_ = 	snop;
	(pc) =	sbr.rel .LBB2_6-.Ltmp5, $1  }
0x61: {  	_ =	sdelay $0x3  }
.LBB2_8:
0x62: {  	_ =	sfence.sel $0x180000  }
0x63: {  	s1 =	simm.s32 $0x2;
	[bflag:$0x0] =	sbarrier.arrive $0xFFFF  }
0x64: {  	s30 =	simm.s32 $0x3;
	[sflag:s1] =	ssyncpa.u1 $0x1  }
0x65: {  	s31 =	simm.s32 $0x1;
	[sflag:s30] =	ssyncpa.u1 $0x1  }
0x66: {  	[sflag:s31] =	ssyncpa.u1 $0x1  }
0x67: {  	p0 =	sne.s32 s0, $0x0;
	_ =	strace $0x9000004A  }
0x68: {  	s0 =	sadd.s32 @!p0 $0x100000, s2;
	[bflag:$0x2] =	sbarrier.arrive $0xFFFF  }
0x69: {  	[sflag:s0] =	ssyncadd.tile.s32 @!p0 $0x1;
	_ =	shalt  }
.Lfunc_end2:
_tile_overlayer_lowered:
.L_overlay_start_2:
0x6a: {  	(tag) =	ssettag $0x2  }
0x6b: {  	s0 =	rddreg [dreg:$0x0];
	s2 =	stileid.u32  }
0x6c: {  	s1 =	rddreg [dreg:$0x1];
	p0 =	sne.s32 s2, $0x0  }
0x6d: {  	s3 =	rddreg [dreg:$0x2];
	[bflag:$0x3] =	sbarrier.arrive $0xFFFF;
	s2 =	simm.s32 @!p0 $0x1C01  }
0x6e: {  	[timem:s3], [sflag:s2] =	dma.local @!p0 [hbm:s0], s1  }
0x6f: {  	s0 =	simm.s32 @!p0 $0x1  }
0x70: {  	_ =	swait.ge @!p0 [sflag:s0], s1  }
0x71: {  	s1 =	ssub.s32 @!p0 $0x0, s1;
	[sflag:s0] =	ssyncset.done @!p0 $0x0  }
0x72: {  	[sflag:s0] =	ssyncadd.s32 @!p0 s1  }
0x73: {  	[bflag:$0x3] =	sbarrier.arrive $0xFFFF  }
0x74: {  	_ =	shalt  }

</sc_bundles>
